<compile_context>
chip_gen: v7x
topology: tpu7x:2x2x1
jax: 0.10.2.dev20260603
libtpu: 0.0.44.dev20260713+nightly
codegen_flags: <defaults>
</compile_context>

<pallas_src>
import functools

import jax
import jax.numpy as jnp
from jax import lax
from jax.experimental import pallas as pl
from jax.experimental.pallas import tpu as pltpu
from jax.experimental.pallas import tpu_sc as plsc

D = 768
HID = 768
E = 8
MAXH = 1152
BLK = 512
NW = 32
GCHUNK = 64
CCHUNK = 32
_ACTS = ["gelu", "silu", "relu", "leaky_relu"]
_DEPTHS = [1, 2, 3]
_SCALES = [0.5, 1.0, 1.5]


def _cfg(i):
    return _ACTS[i % 4], _DEPTHS[i % 3], int(HID * _SCALES[i % 3])


def _act(name, h):
    if name == "gelu":
        return 0.5 * h * (1.0 + lax.erf(h * 0.7071067811865476))
    if name == "silu":
        return jax.nn.silu(h)
    if name == "relu":
        return jax.nn.relu(h)
    return jax.nn.leaky_relu(h, negative_slope=0.01)


def _ln(h):
    mu = jnp.mean(h, axis=-1, keepdims=True)
    var = jnp.mean((h - mu) ** 2, axis=-1, keepdims=True)
    return (h - mu) / jnp.sqrt(var + 1e-5)


def _dot(a, b):
    return jnp.dot(a, b, preferred_element_type=jnp.float32)


def _gate_body(x_ref, gw_ref, o_ref):
    logits = _dot(x_ref[...], gw_ref[...])
    probs = jax.nn.softmax(logits, axis=-1)
    i8 = lax.broadcasted_iota(jnp.int32, probs.shape, 1)
    a1 = jnp.argmax(probs, axis=1)
    is1 = i8 == a1[:, None]
    m1 = jnp.max(probs, axis=1, keepdims=True)
    masked = jnp.where(is1, -jnp.inf, probs)
    a2 = jnp.argmax(masked, axis=1)
    m2 = jnp.max(masked, axis=1, keepdims=True)
    denom = (m1 + m2 + 1e-9)[:, 0]
    cols = lax.broadcasted_iota(jnp.int32, o_ref.shape, 1)
    packed = jnp.where(cols == 0, a1.astype(jnp.float32)[:, None], 0.0)
    packed += jnp.where(cols == 1, a2.astype(jnp.float32)[:, None], 0.0)
    packed += jnp.where(cols == 2, (m1[:, 0] / denom)[:, None], 0.0)
    packed += jnp.where(cols == 3, (m2[:, 0] / denom)[:, None], 0.0)
    o_ref[...] = packed


def _gate(x, gate_W, tb):
    tok = x.shape[0]
    return pl.pallas_call(
        _gate_body,
        grid=(tok // tb,),
        in_specs=[
            pl.BlockSpec((tb, D), lambda t: (t, 0)),
            pl.BlockSpec((D, E), lambda t: (0, 0)),
        ],
        out_specs=pl.BlockSpec((tb, 8), lambda t: (t, 0)),
        out_shape=jax.ShapeDtypeStruct((tok, 8), jnp.float32),
    )(x, gate_W)


def _expert_fwd_exact(i, x, wa, wb, wc, wo):
    act, depth, hid = _cfg(i)
    h = _ln(_act(act, _dot(x, wa[0, :, :hid])))
    if depth >= 2:
        h = _ln(_act(act, _dot(h, wb[0, :hid, :hid])))
    if depth == 3:
        h = _ln(_act(act, _dot(h, wc[0, :hid, :hid])))
    return _ln(_dot(h, wo[0, :hid, :]))


def _stack_weights(experts):
    wa = jnp.zeros((E, D, MAXH), jnp.float32)
    wb = jnp.zeros((E, MAXH, MAXH), jnp.float32)
    wc = jnp.zeros((E, MAXH, MAXH), jnp.float32)
    wo = jnp.zeros((E, MAXH, D), jnp.float32)
    for i, ep in enumerate(experts):
        _, depth, hid = _cfg(i)
        wa = wa.at[i, :, :hid].set(ep["layers"][0]["W"])
        if depth >= 2:
            wb = wb.at[i, :hid, :hid].set(ep["layers"][1]["W"])
        if depth == 3:
            wc = wc.at[i, :hid, :hid].set(ep["layers"][2]["W"])
        wo = wo.at[i, :hid, :].set(ep["out"]["W"])
    return wa, wb, wc, wo


def _experts_body(be_ref, ba_ref, xs_ref, w_ref, wa_ref, wb_ref, wc_ref,
                  wo_ref, out_ref):
    b = pl.program_id(0)
    e = be_ref[b]

    @pl.when(ba_ref[b] == 1)
    def _():
        x = xs_ref[...]

        def mk(i):
            return lambda: _expert_fwd_exact(i, x, wa_ref, wb_ref, wc_ref,
                                             wo_ref)

        y = lax.switch(e, [mk(i) for i in range(E)])
        out_ref[...] = y * w_ref[...]


def _experts_sparse(block_expert, block_active, xs, w_sorted, wa, wb, wc, wo,
                    nb, p, half, ysw_prev=None):
    grid_spec = pltpu.PrefetchScalarGridSpec(
        num_scalar_prefetch=2,
        grid=(nb,),
        in_specs=[
            pl.BlockSpec((BLK, D), lambda b, be, ba: (b, 0)),
            pl.BlockSpec((BLK, 1), lambda b, be, ba: (b + half * nb, 0)),
            pl.BlockSpec((1, D, MAXH), lambda b, be, ba: (be[b], 0, 0)),
            pl.BlockSpec((1, MAXH, MAXH), lambda b, be, ba: (be[b], 0, 0)),
            pl.BlockSpec((1, MAXH, MAXH), lambda b, be, ba: (be[b], 0, 0)),
            pl.BlockSpec((1, MAXH, D), lambda b, be, ba: (be[b], 0, 0)),
        ],
        out_specs=pl.BlockSpec((BLK, D), lambda b, be, ba: (b + half * nb, 0)),
    )
    args = [block_expert, block_active, xs, w_sorted, wa, wb, wc, wo]
    kwargs = {}
    if ysw_prev is not None:
        args.append(ysw_prev)
        grid_spec = pltpu.PrefetchScalarGridSpec(
            num_scalar_prefetch=2,
            grid=(nb,),
            in_specs=tuple(grid_spec.in_specs) + (
                pl.BlockSpec(memory_space=pl.ANY),),
            out_specs=grid_spec.out_specs,
        )
        kwargs["input_output_aliases"] = {8: 0}

    def body(*refs):
        _experts_body(*refs[:8], refs[-1])

    return pl.pallas_call(
        body,
        grid_spec=grid_spec,
        out_shape=jax.ShapeDtypeStruct((p, D), jnp.float32),
        **kwargs,
    )(*args)


def _sc_gather(x, gidx, p):
    per_w = p // NW
    nch = per_w // GCHUNK
    width = x.shape[1]
    mesh = plsc.VectorSubcoreMesh(core_axis_name="c", subcore_axis_name="s")

    @functools.partial(
        pl.kernel,
        mesh=mesh,
        out_type=jax.ShapeDtypeStruct((p, width), x.dtype),
        scratch_types=[
            pltpu.VMEM((per_w,), jnp.int32),
            pltpu.VMEM((2, GCHUNK, width), x.dtype),
            pltpu.SemaphoreType.DMA,
            pltpu.SemaphoreType.DMA,
            pltpu.SemaphoreType.DMA,
        ],
    )
    def k(x_hbm, gidx_hbm, out_hbm, idx_v, rows_v, gsem, osem0, osem1):
        wid = lax.axis_index("s") * 2 + lax.axis_index("c")
        base = pl.multiple_of(wid * per_w, GCHUNK)
        pltpu.sync_copy(gidx_hbm.at[pl.ds(base, per_w)], idx_v)
        osems = (osem0, osem1)
        outcps = [None, None]
        for c in range(nch):
            b = c % 2
            if outcps[b] is not None:
                outcps[b].wait()
            off = pl.multiple_of(base + c * GCHUNK, GCHUNK)
            pltpu.async_copy(
                x_hbm.at[idx_v.at[pl.ds(c * GCHUNK, GCHUNK)]], rows_v.at[b],
                gsem).wait()
            outcps[b] = pltpu.async_copy(rows_v.at[b],
                                         out_hbm.at[pl.ds(off, GCHUNK)],
                                         osems[b])
        for cp in outcps:
            cp.wait()

    return k(x, gidx)


def _sc_combine(ysw, p1, p2, tok):
    per_w = tok // NW
    nch = per_w // CCHUNK
    mesh = plsc.VectorSubcoreMesh(core_axis_name="c", subcore_axis_name="s")

    @functools.partial(
        pl.kernel,
        mesh=mesh,
        out_type=jax.ShapeDtypeStruct((tok, D), jnp.float32),
        scratch_types=[
            pltpu.VMEM((per_w,), jnp.int32),
            pltpu.VMEM((per_w,), jnp.int32),
            pltpu.VMEM((2, CCHUNK, D), jnp.float32),
            pltpu.VMEM((2, CCHUNK, D), jnp.float32),
            pltpu.SemaphoreType.DMA,
            pltpu.SemaphoreType.DMA,
            pltpu.SemaphoreType.DMA,
            pltpu.SemaphoreType.DMA,
        ],
    )
    def k(y_hbm, p1_hbm, p2_hbm, out_hbm, i1_v, i2_v, b1, b2, g1, g2,
          os0, os1):
        wid = lax.axis_index("s") * 2 + lax.axis_index("c")
        base = pl.multiple_of(wid * per_w, CCHUNK)
        pltpu.sync_copy(p1_hbm.at[pl.ds(base, per_w)], i1_v)
        pltpu.sync_copy(p2_hbm.at[pl.ds(base, per_w)], i2_v)
        osems = (os0, os1)
        outcps = [None, None]
        gcps = [None, None]

        def issue_gather(c):
            b = c % 2
            if outcps[b] is not None:
                outcps[b].wait()
                outcps[b] = None
            sl = pl.ds(c * CCHUNK, CCHUNK)
            cp1 = pltpu.async_copy(y_hbm.at[i1_v.at[sl]], b1.at[b], g1)
            cp2 = pltpu.async_copy(y_hbm.at[i2_v.at[sl]], b2.at[b], g2)
            gcps[b] = (cp1, cp2)

        issue_gather(0)
        for c in range(nch):
            b = c % 2
            cp1, cp2 = gcps[b]
            cp1.wait()
            cp2.wait()
            if c + 1 < nch:
                issue_gather(c + 1)

            def row_add(r, _):
                for j in range(D // 16):
                    sl = pl.ds(j * 16, 16)
                    b1[b, r, sl] = b1[b, r, sl] + b2[b, r, sl]
                return ()

            lax.fori_loop(0, CCHUNK, row_add, ())
            off = pl.multiple_of(base + c * CCHUNK, CCHUNK)
            outcps[b] = pltpu.async_copy(b1.at[b],
                                         out_hbm.at[pl.ds(off, CCHUNK)],
                                         osems[b])
        for cp in outcps:
            if cp is not None:
                cp.wait()

    return k(ysw, p1, p2)


def _route(gate_out, tok, p):
    e1 = gate_out[:, 0].astype(jnp.int32)
    e2 = gate_out[:, 1].astype(jnp.int32)
    w1 = gate_out[:, 2]
    w2 = gate_out[:, 3]
    e_all = jnp.concatenate([e1, e2])
    oh = (e_all[:, None] == jnp.arange(E)[None, :]).astype(jnp.int32)
    ranks = jnp.cumsum(oh, axis=0) - oh
    rank_a = jnp.sum(ranks * oh, axis=1)
    counts = jnp.sum(oh, axis=0)
    padded = ((counts + BLK - 1) // BLK) * BLK
    ends = jnp.cumsum(padded)
    off = ends - padded
    pos = off[e_all] + rank_a
    tokid = jnp.arange(tok, dtype=jnp.int32)
    gidx = jnp.zeros((p,), jnp.int32).at[pos].set(
        jnp.concatenate([tokid, tokid]))
    w_sorted = jnp.zeros((p, 1), jnp.float32).at[pos, 0].set(
        jnp.concatenate([w1, w2]))
    nb = p // BLK
    bstart = jnp.arange(nb, dtype=jnp.int32) * BLK
    block_expert = jnp.minimum(
        jnp.searchsorted(ends, bstart, side="right"), E - 1).astype(jnp.int32)
    block_active = (bstart < ends[E - 1]).astype(jnp.int32)
    return (gidx, w_sorted, block_expert, block_active,
            pos[:tok].astype(jnp.int32), pos[tok:].astype(jnp.int32))


def kernel(x, experts, gate_W, gate_b):
    del gate_b
    tok = x.shape[0]
    p = 2 * tok + E * BLK
    gate_out = _gate(x, gate_W, min(512, tok))
    gidx, w_sorted, block_expert, block_active, p1, p2 = _route(
        gate_out, tok, p)
    wa, wb, wc, wo = _stack_weights(experts)
    nb = p // BLK
    nbh = nb // 2
    ph = p // 2
    xs_a = _sc_gather(x, gidx[:ph], ph)
    xs_b = _sc_gather(x, gidx[ph:], ph)
    return xs_a[:tok] + xs_b[:tok] + wa[0, :tok % 8 + 1, :D] * 0.0

# --- scband reference (transcript-rebuilt; emitter-appended) ---
"""Pipeline reference for scband-mixed-mo-eprojection-layer-31155692765500 (READ-ONLY COPY).

The authoritative reference and input builder live on the scoring server;
editing this copy changes nothing except your own understanding.
"""

import jax, jax.numpy as jnp
import numpy as np

D = 768
HID = 768
E = 8
TOPK = 2
TOK = 8192
_ACTS = ["gelu", "silu", "relu", "leaky_relu"]
_DEPTHS = [1, 2, 3]
_SCALES = [0.5, 1.0, 1.5]


def _cfg(i):
    return _ACTS[i % 4], _DEPTHS[i % 3], int(HID * _SCALES[i % 3])


def _act(name, h):
    if name == "gelu":
        return jax.nn.gelu(h, approximate=False)
    if name == "silu":
        return jax.nn.silu(h)
    if name == "relu":
        return jax.nn.relu(h)
    return jax.nn.leaky_relu(h, negative_slope=0.01)


def _ln(h, g, b):
    mu = jnp.mean(h, axis=-1, keepdims=True)
    var = jnp.var(h, axis=-1, keepdims=True)
    return (h - mu) / jnp.sqrt(var + 1e-5) * g + b


def setup_inputs(seed: int = 0):
    key = jax.random.key(seed)
    x = jax.random.normal(jax.random.fold_in(key, 1), (TOK, D), dtype=jnp.float32)
    experts = []
    c = 100
    for i in range(E):
        act, depth, hid = _cfg(i)
        layers = []
        in_dim = D
        for j in range(depth):
            W = jax.random.normal(jax.random.fold_in(key, c), (in_dim, hid), dtype=jnp.float32) * 0.02
            c += 1
            layers.append({"W": W, "b": jnp.zeros((hid,), jnp.float32), "g": jnp.ones((hid,), jnp.float32), "beta": jnp.zeros((hid,), jnp.float32)})
            in_dim = hid
        Wo = jax.random.normal(jax.random.fold_in(key, c), (in_dim, D), dtype=jnp.float32) * 0.02
        c += 1
        out = {"W": Wo, "b": jnp.zeros((D,), jnp.float32), "g": jnp.ones((D,), jnp.float32), "beta": jnp.zeros((D,), jnp.float32)}
        experts.append({"layers": layers, "out": out})
    gate_W = jax.random.normal(jax.random.fold_in(key, 2), (D, E), dtype=jnp.float32) * 0.02
    gate_b = jnp.zeros((E,), jnp.float32)
    return {"x": x, "experts": experts, "gate_W": gate_W, "gate_b": gate_b}


def _expert_fwd(i, ep, x):
    act, _, _ = _cfg(i)
    h = x
    for lyr in ep["layers"]:
        h = h @ lyr["W"] + lyr["b"]
        h = _act(act, h)
        h = _ln(h, lyr["g"], lyr["beta"])
    o = ep["out"]
    h = h @ o["W"] + o["b"]
    h = _ln(h, o["g"], o["beta"])
    return h


def reference(x, experts, gate_W, gate_b):
    gate_scores = jax.nn.softmax(x @ gate_W + gate_b, axis=-1)
    top_k_vals, top_k_index = jax.lax.top_k(gate_scores, TOPK)
    B = x.shape[0]
    mask = jnp.zeros_like(gate_scores).at[jnp.arange(B)[:, None], top_k_index].set(1.0)
    gate_scores = gate_scores * mask
    gate_scores = gate_scores / (jnp.sum(gate_scores, axis=-1, keepdims=True) + 1e-9)
    out = jnp.zeros_like(x)
    for i, ep in enumerate(experts):
        expert_out = _expert_fwd(i, ep, x)
        out = out + expert_out * gate_scores[:, i][:, None]
    return out

if __name__ == "__main__":
    import jax
    _d = setup_inputs()
    print(jax.jit(kernel)(*tuple(_d.values())))

</pallas_src>

<mosaic_0001>
#map = affine_map<(d0, d1) -> (0, 0)>
#map1 = affine_map<(d0, d1) -> (0)>
module attributes {stable_mosaic.version = 14 : i64} {
  func.func @k(%arg0: i32, %arg1: i32, %arg2: memref<8192x768xf32, #tpu.memory_space<hbm>>, %arg3: memref<10240xi32, #tpu.memory_space<hbm>>, %arg4: memref<10240x768xf32, #tpu.memory_space<hbm>>, %arg5: memref<320xi32, #tpu.memory_space<vmem>>, %arg6: memref<2x64x768xf32, #tpu.memory_space<vmem>>, %arg7: memref<!tpu.dma_semaphore, #tpu.memory_space<semaphore_mem>>, %arg8: memref<!tpu.dma_semaphore, #tpu.memory_space<semaphore_mem>>, %arg9: memref<!tpu.dma_semaphore, #tpu.memory_space<semaphore_mem>>) attributes {dimension_semantics = [#tpu.dimension_semantics<core_parallel>, #tpu.dimension_semantics<subcore_parallel>], iteration_bounds = array<i64: 2, 16>, scalar_prefetch = 0 : i64, scratch_operands = 5 : i64, tpu.core_type = #tpu.core_type<sc_vector_subcore>, window_params = [{transform_indices = #map}, {transform_indices = #map1}, {transform_indices = #map}]} {
    %mul3A = arith.constant 2 : i32
    %mul3A_0 = arith.muli %arg1, %mul3A : i32
    %add3A = arith.addi %mul3A_0, %arg0 : i32
    %mul3A_1 = arith.constant 320 : i32
    %mul3A_2 = arith.muli %add3A, %mul3A_1 : i32
    %multiple_of3A = tpu.assume_multiple %mul3A_2, 64 : i32
    "tpu.region"() ({
      %run_scoped3A = tpu.sem_alloc : memref<!tpu.dma_semaphore, #tpu.memory_space<semaphore_mem>>
      %dma_start3A_246 = tpu.memref_slice %arg3[%multiple_of3A] : memref<10240xi32, #tpu.memory_space<hbm>> -> memref<320xi32, #tpu.memory_space<hbm>>
      %dma_start3A_247 = tpu.memref_slice %arg3[%multiple_of3A] : memref<10240xi32, #tpu.memory_space<hbm>> -> memref<320xi32, #tpu.memory_space<hbm>>
      tpu.enqueue_dma source(%dma_start3A_247 : memref<320xi32, #tpu.memory_space<hbm>>) target(%arg5 : memref<320xi32, #tpu.memory_space<vmem>>) target_semaphore(%run_scoped3A : memref<!tpu.dma_semaphore, #tpu.memory_space<semaphore_mem>>)
      %dma_wait3A_248 = tpu.memref_slice %arg3[%multiple_of3A] : memref<10240xi32, #tpu.memory_space<hbm>> -> memref<320xi32, #tpu.memory_space<hbm>>
      %dma_wait3A_249 = tpu.memref_slice %arg3[%multiple_of3A] : memref<10240xi32, #tpu.memory_space<hbm>> -> memref<320xi32, #tpu.memory_space<hbm>>
      tpu.wait_dma2 semaphore(%run_scoped3A : memref<!tpu.dma_semaphore, #tpu.memory_space<semaphore_mem>>) src(%dma_wait3A_249 : memref<320xi32, #tpu.memory_space<hbm>>) dst(%arg5 : memref<320xi32, #tpu.memory_space<vmem>>)
      tpu.yield
    }) : () -> ()
    %add3A_3 = arith.constant 0 : i32
    %add3A_4 = arith.addi %multiple_of3A, %add3A_3 : i32
    %multiple_of3A_5 = tpu.assume_multiple %add3A_4, 64 : i32
    %dma_start3A = arith.constant 0 : i32
    %dma_start3A_6 = arith.constant 0 : i32
    %dma_start3A_7 = arith.constant 0 : i32
    %dma_start3A_8 = tpu.memref_slice %arg6[%dma_start3A, %dma_start3A_6, %dma_start3A_7] : memref<2x64x768xf32, #tpu.memory_space<vmem>> -> memref<1x64x768xf32, #tpu.memory_space<vmem>>
    %dma_start3A_9 = tpu.memref_squeeze %dma_start3A_8 : memref<1x64x768xf32, #tpu.memory_space<vmem>> -> memref<64x768xf32, #tpu.memory_space<vmem>>
    %dma_start3A_10 = arith.constant 0 : i32
    %dma_start3A_11 = tpu.memref_slice %arg5[%dma_start3A_10] : memref<320xi32, #tpu.memory_space<vmem>> -> memref<64xi32, #tpu.memory_space<vmem>>
    %dma_start3A_12 = arith.constant 0 : i32
    %dma_start3A_13 = arith.constant 0 : i32
    %dma_start3A_14 = tpu.memref_slice %arg2[%dma_start3A_12, %dma_start3A_13] : memref<8192x768xf32, #tpu.memory_space<hbm>> -> memref<8192x768xf32, #tpu.memory_space<hbm>>
    tpu.enqueue_indirect_dma source(%dma_start3A_14 : memref<8192x768xf32, #tpu.memory_space<hbm>>) target(%dma_start3A_9 : memref<64x768xf32, #tpu.memory_space<vmem>>) offsets(%dma_start3A_11 : memref<64xi32, #tpu.memory_space<vmem>>) semaphore(%arg7 : memref<!tpu.dma_semaphore, #tpu.memory_space<semaphore_mem>>)
    %dma_wait3A = arith.constant 0 : i32
    %dma_wait3A_15 = arith.constant 0 : i32
    %dma_wait3A_16 = arith.constant 0 : i32
    %dma_wait3A_17 = tpu.memref_slice %arg6[%dma_wait3A, %dma_wait3A_15, %dma_wait3A_16] : memref<2x64x768xf32, #tpu.memory_space<vmem>> -> memref<1x64x768xf32, #tpu.memory_space<vmem>>
    %dma_wait3A_18 = tpu.memref_squeeze %dma_wait3A_17 : memref<1x64x768xf32, #tpu.memory_space<vmem>> -> memref<64x768xf32, #tpu.memory_space<vmem>>
    %dma_wait3A_19 = arith.constant 0 : i32
    %dma_wait3A_20 = tpu.memref_slice %arg5[%dma_wait3A_19] : memref<320xi32, #tpu.memory_space<vmem>> -> memref<64xi32, #tpu.memory_space<vmem>>
    %dma_wait3A_21 = arith.constant 0 : i32
    %dma_wait3A_22 = arith.constant 0 : i32
    %dma_wait3A_23 = tpu.memref_slice %arg2[%dma_wait3A_21, %dma_wait3A_22] : memref<8192x768xf32, #tpu.memory_space<hbm>> -> memref<8192x768xf32, #tpu.memory_space<hbm>>
    tpu.wait_indirect_dma semaphore(%arg7 : memref<!tpu.dma_semaphore, #tpu.memory_space<semaphore_mem>>) src(%dma_wait3A_23 : memref<8192x768xf32, #tpu.memory_space<hbm>>) dst(%dma_wait3A_18 : memref<64x768xf32, #tpu.memory_space<vmem>>)
    %dma_start3A_24 = arith.constant 0 : i32
    %dma_start3A_25 = arith.constant 0 : i32
    %dma_start3A_26 = arith.constant 0 : i32
    %dma_start3A_27 = tpu.memref_slice %arg6[%dma_start3A_24, %dma_start3A_25, %dma_start3A_26] : memref<2x64x768xf32, #tpu.memory_space<vmem>> -> memref<1x64x768xf32, #tpu.memory_space<vmem>>
    %dma_start3A_28 = tpu.memref_squeeze %dma_start3A_27 : memref<1x64x768xf32, #tpu.memory_space<vmem>> -> memref<64x768xf32, #tpu.memory_space<vmem>>
    %dma_start3A_29 = arith.constant 0 : i32
    %dma_start3A_30 = tpu.memref_slice %arg4[%multiple_of3A_5, %dma_start3A_29] : memref<10240x768xf32, #tpu.memory_space<hbm>> -> memref<64x768xf32, #tpu.memory_space<hbm>>
    %dma_start3A_31 = arith.constant 0 : i32
    %dma_start3A_32 = tpu.memref_slice %arg4[%multiple_of3A_5, %dma_start3A_31] : memref<10240x768xf32, #tpu.memory_space<hbm>> -> memref<64x768xf32, #tpu.memory_space<hbm>>
    %dma_start3A_33 = arith.constant 0 : i32
    %dma_start3A_34 = arith.constant 0 : i32
    %dma_start3A_35 = tpu.memref_slice %arg6[%dma_start3A_24, %dma_start3A_33, %dma_start3A_34] : memref<2x64x768xf32, #tpu.memory_space<vmem>> -> memref<1x64x768xf32, #tpu.memory_space<vmem>>
    %dma_start3A_36 = tpu.memref_squeeze %dma_start3A_35 : memref<1x64x768xf32, #tpu.memory_space<vmem>> -> memref<64x768xf32, #tpu.memory_space<vmem>>
    tpu.enqueue_dma source(%dma_start3A_36 : memref<64x768xf32, #tpu.memory_space<vmem>>) target(%dma_start3A_32 : memref<64x768xf32, #tpu.memory_space<hbm>>) target_semaphore(%arg8 : memref<!tpu.dma_semaphore, #tpu.memory_space<semaphore_mem>>)
    %add3A_37 = arith.constant 64 : i32
    %add3A_38 = arith.addi %multiple_of3A, %add3A_37 : i32
    %multiple_of3A_39 = tpu.assume_multiple %add3A_38, 64 : i32
    %dma_start3A_40 = arith.constant 1 : i32
    %dma_start3A_41 = arith.constant 0 : i32
    %dma_start3A_42 = arith.constant 0 : i32
    %dma_start3A_43 = tpu.memref_slice %arg6[%dma_start3A_40, %dma_start3A_41, %dma_start3A_42] : memref<2x64x768xf32, #tpu.memory_space<vmem>> -> memref<1x64x768xf32, #tpu.memory_space<vmem>>
    %dma_start3A_44 = tpu.memref_squeeze %dma_start3A_43 : memref<1x64x768xf32, #tpu.memory_space<vmem>> -> memref<64x768xf32, #tpu.memory_space<vmem>>
    %dma_start3A_45 = arith.constant 64 : i32
    %dma_start3A_46 = tpu.memref_slice %arg5[%dma_start3A_45] : memref<320xi32, #tpu.memory_space<vmem>> -> memref<64xi32, #tpu.memory_space<vmem>>
    %dma_start3A_47 = arith.constant 0 : i32
    %dma_start3A_48 = arith.constant 0 : i32
    %dma_start3A_49 = tpu.memref_slice %arg2[%dma_start3A_47, %dma_start3A_48] : memref<8192x768xf32, #tpu.memory_space<hbm>> -> memref<8192x768xf32, #tpu.memory_space<hbm>>
    tpu.enqueue_indirect_dma source(%dma_start3A_49 : memref<8192x768xf32, #tpu.memory_space<hbm>>) target(%dma_start3A_44 : memref<64x768xf32, #tpu.memory_space<vmem>>) offsets(%dma_start3A_46 : memref<64xi32, #tpu.memory_space<vmem>>) semaphore(%arg7 : memref<!tpu.dma_semaphore, #tpu.memory_space<semaphore_mem>>)
    %dma_wait3A_50 = arith.constant 1 : i32
    %dma_wait3A_51 = arith.constant 0 : i32
    %dma_wait3A_52 = arith.constant 0 : i32
    %dma_wait3A_53 = tpu.memref_slice %arg6[%dma_wait3A_50, %dma_wait3A_51, %dma_wait3A_52] : memref<2x64x768xf32, #tpu.memory_space<vmem>> -> memref<1x64x768xf32, #tpu.memory_space<vmem>>
    %dma_wait3A_54 = tpu.memref_squeeze %dma_wait3A_53 : memref<1x64x768xf32, #tpu.memory_space<vmem>> -> memref<64x768xf32, #tpu.memory_space<vmem>>
    %dma_wait3A_55 = arith.constant 64 : i32
    %dma_wait3A_56 = tpu.memref_slice %arg5[%dma_wait3A_55] : memref<320xi32, #tpu.memory_space<vmem>> -> memref<64xi32, #tpu.memory_space<vmem>>
    %dma_wait3A_57 = arith.constant 0 : i32
    %dma_wait3A_58 = arith.constant 0 : i32
    %dma_wait3A_59 = tpu.memref_slice %arg2[%dma_wait3A_57, %dma_wait3A_58] : memref<8192x768xf32, #tpu.memory_space<hbm>> -> memref<8192x768xf32, #tpu.memory_space<hbm>>
    tpu.wait_indirect_dma semaphore(%arg7 : memref<!tpu.dma_semaphore, #tpu.memory_space<semaphore_mem>>) src(%dma_wait3A_59 : memref<8192x768xf32, #tpu.memory_space<hbm>>) dst(%dma_wait3A_54 : memref<64x768xf32, #tpu.memory_space<vmem>>)
    %dma_start3A_60 = arith.constant 1 : i32
    %dma_start3A_61 = arith.constant 0 : i32
    %dma_start3A_62 = arith.constant 0 : i32
    %dma_start3A_63 = tpu.memref_slice %arg6[%dma_start3A_60, %dma_start3A_61, %dma_start3A_62] : memref<2x64x768xf32, #tpu.memory_space<vmem>> -> memref<1x64x768xf32, #tpu.memory_space<vmem>>
    %dma_start3A_64 = tpu.memref_squeeze %dma_start3A_63 : memref<1x64x768xf32, #tpu.memory_space<vmem>> -> memref<64x768xf32, #tpu.memory_space<vmem>>
    %dma_start3A_65 = arith.constant 0 : i32
    %dma_start3A_66 = tpu.memref_slice %arg4[%multiple_of3A_39, %dma_start3A_65] : memref<10240x768xf32, #tpu.memory_space<hbm>> -> memref<64x768xf32, #tpu.memory_space<hbm>>
    %dma_start3A_67 = arith.constant 0 : i32
    %dma_start3A_68 = tpu.memref_slice %arg4[%multiple_of3A_39, %dma_start3A_67] : memref<10240x768xf32, #tpu.memory_space<hbm>> -> memref<64x768xf32, #tpu.memory_space<hbm>>
    %dma_start3A_69 = arith.constant 0 : i32
    %dma_start3A_70 = arith.constant 0 : i32
    %dma_start3A_71 = tpu.memref_slice %arg6[%dma_start3A_60, %dma_start3A_69, %dma_start3A_70] : memref<2x64x768xf32, #tpu.memory_space<vmem>> -> memref<1x64x768xf32, #tpu.memory_space<vmem>>
    %dma_start3A_72 = tpu.memref_squeeze %dma_start3A_71 : memref<1x64x768xf32, #tpu.memory_space<vmem>> -> memref<64x768xf32, #tpu.memory_space<vmem>>
    tpu.enqueue_dma source(%dma_start3A_72 : memref<64x768xf32, #tpu.memory_space<vmem>>) target(%dma_start3A_68 : memref<64x768xf32, #tpu.memory_space<hbm>>) target_semaphore(%arg9 : memref<!tpu.dma_semaphore, #tpu.memory_space<semaphore_mem>>)
    %dma_wait3A_73 = arith.constant 0 : i32
    %dma_wait3A_74 = arith.constant 0 : i32
    %dma_wait3A_75 = arith.constant 0 : i32
    %dma_wait3A_76 = tpu.memref_slice %arg6[%dma_wait3A_73, %dma_wait3A_74, %dma_wait3A_75] : memref<2x64x768xf32, #tpu.memory_space<vmem>> -> memref<1x64x768xf32, #tpu.memory_space<vmem>>
    %dma_wait3A_77 = tpu.memref_squeeze %dma_wait3A_76 : memref<1x64x768xf32, #tpu.memory_space<vmem>> -> memref<64x768xf32, #tpu.memory_space<vmem>>
    %dma_wait3A_78 = arith.constant 0 : i32
    %dma_wait3A_79 = tpu.memref_slice %arg4[%multiple_of3A_5, %dma_wait3A_78] : memref<10240x768xf32, #tpu.memory_space<hbm>> -> memref<64x768xf32, #tpu.memory_space<hbm>>
    %dma_wait3A_80 = arith.constant 0 : i32
    %dma_wait3A_81 = tpu.memref_slice %arg4[%multiple_of3A_5, %dma_wait3A_80] : memref<10240x768xf32, #tpu.memory_space<hbm>> -> memref<64x768xf32, #tpu.memory_space<hbm>>
    %dma_wait3A_82 = arith.constant 0 : i32
    %dma_wait3A_83 = arith.constant 0 : i32
    %dma_wait3A_84 = tpu.memref_slice %arg6[%dma_wait3A_73, %dma_wait3A_82, %dma_wait3A_83] : memref<2x64x768xf32, #tpu.memory_space<vmem>> -> memref<1x64x768xf32, #tpu.memory_space<vmem>>
    %dma_wait3A_85 = tpu.memref_squeeze %dma_wait3A_84 : memref<1x64x768xf32, #tpu.memory_space<vmem>> -> memref<64x768xf32, #tpu.memory_space<vmem>>
    tpu.wait_dma2 semaphore(%arg8 : memref<!tpu.dma_semaphore, #tpu.memory_space<semaphore_mem>>) src(%dma_wait3A_85 : memref<64x768xf32, #tpu.memory_space<vmem>>) dst(%dma_wait3A_81 : memref<64x768xf32, #tpu.memory_space<hbm>>)
    %add3A_86 = arith.constant 128 : i32
    %add3A_87 = arith.addi %multiple_of3A, %add3A_86 : i32
    %multiple_of3A_88 = tpu.assume_multiple %add3A_87, 64 : i32
    %dma_start3A_89 = arith.constant 0 : i32
    %dma_start3A_90 = arith.constant 0 : i32
    %dma_start3A_91 = arith.constant 0 : i32
    %dma_start3A_92 = tpu.memref_slice %arg6[%dma_start3A_89, %dma_start3A_90, %dma_start3A_91] : memref<2x64x768xf32, #tpu.memory_space<vmem>> -> memref<1x64x768xf32, #tpu.memory_space<vmem>>
    %dma_start3A_93 = tpu.memref_squeeze %dma_start3A_92 : memref<1x64x768xf32, #tpu.memory_space<vmem>> -> memref<64x768xf32, #tpu.memory_space<vmem>>
    %dma_start3A_94 = arith.constant 128 : i32
    %dma_start3A_95 = tpu.memref_slice %arg5[%dma_start3A_94] : memref<320xi32, #tpu.memory_space<vmem>> -> memref<64xi32, #tpu.memory_space<vmem>>
    %dma_start3A_96 = arith.constant 0 : i32
    %dma_start3A_97 = arith.constant 0 : i32
    %dma_start3A_98 = tpu.memref_slice %arg2[%dma_start3A_96, %dma_start3A_97] : memref<8192x768xf32, #tpu.memory_space<hbm>> -> memref<8192x768xf32, #tpu.memory_space<hbm>>
    tpu.enqueue_indirect_dma source(%dma_start3A_98 : memref<8192x768xf32, #tpu.memory_space<hbm>>) target(%dma_start3A_93 : memref<64x768xf32, #tpu.memory_space<vmem>>) offsets(%dma_start3A_95 : memref<64xi32, #tpu.memory_space<vmem>>) semaphore(%arg7 : memref<!tpu.dma_semaphore, #tpu.memory_space<semaphore_mem>>)
    %dma_wait3A_99 = arith.constant 0 : i32
    %dma_wait3A_100 = arith.constant 0 : i32
    %dma_wait3A_101 = arith.constant 0 : i32
    %dma_wait3A_102 = tpu.memref_slice %arg6[%dma_wait3A_99, %dma_wait3A_100, %dma_wait3A_101] : memref<2x64x768xf32, #tpu.memory_space<vmem>> -> memref<1x64x768xf32, #tpu.memory_space<vmem>>
    %dma_wait3A_103 = tpu.memref_squeeze %dma_wait3A_102 : memref<1x64x768xf32, #tpu.memory_space<vmem>> -> memref<64x768xf32, #tpu.memory_space<vmem>>
    %dma_wait3A_104 = arith.constant 128 : i32
    %dma_wait3A_105 = tpu.memref_slice %arg5[%dma_wait3A_104] : memref<320xi32, #tpu.memory_space<vmem>> -> memref<64xi32, #tpu.memory_space<vmem>>
    %dma_wait3A_106 = arith.constant 0 : i32
    %dma_wait3A_107 = arith.constant 0 : i32
    %dma_wait3A_108 = tpu.memref_slice %arg2[%dma_wait3A_106, %dma_wait3A_107] : memref<8192x768xf32, #tpu.memory_space<hbm>> -> memref<8192x768xf32, #tpu.memory_space<hbm>>
    tpu.wait_indirect_dma semaphore(%arg7 : memref<!tpu.dma_semaphore, #tpu.memory_space<semaphore_mem>>) src(%dma_wait3A_108 : memref<8192x768xf32, #tpu.memory_space<hbm>>) dst(%dma_wait3A_103 : memref<64x768xf32, #tpu.memory_space<vmem>>)
    %dma_start3A_109 = arith.constant 0 : i32
    %dma_start3A_110 = arith.constant 0 : i32
    %dma_start3A_111 = arith.constant 0 : i32
    %dma_start3A_112 = tpu.memref_slice %arg6[%dma_start3A_109, %dma_start3A_110, %dma_start3A_111] : memref<2x64x768xf32, #tpu.memory_space<vmem>> -> memref<1x64x768xf32, #tpu.memory_space<vmem>>
    %dma_start3A_113 = tpu.memref_squeeze %dma_start3A_112 : memref<1x64x768xf32, #tpu.memory_space<vmem>> -> memref<64x768xf32, #tpu.memory_space<vmem>>
    %dma_start3A_114 = arith.constant 0 : i32
    %dma_start3A_115 = tpu.memref_slice %arg4[%multiple_of3A_88, %dma_start3A_114] : memref<10240x768xf32, #tpu.memory_space<hbm>> -> memref<64x768xf32, #tpu.memory_space<hbm>>
    %dma_start3A_116 = arith.constant 0 : i32
    %dma_start3A_117 = tpu.memref_slice %arg4[%multiple_of3A_88, %dma_start3A_116] : memref<10240x768xf32, #tpu.memory_space<hbm>> -> memref<64x768xf32, #tpu.memory_space<hbm>>
    %dma_start3A_118 = arith.constant 0 : i32
    %dma_start3A_119 = arith.constant 0 : i32
    %dma_start3A_120 = tpu.memref_slice %arg6[%dma_start3A_109, %dma_start3A_118, %dma_start3A_119] : memref<2x64x768xf32, #tpu.memory_space<vmem>> -> memref<1x64x768xf32, #tpu.memory_space<vmem>>
    %dma_start3A_121 = tpu.memref_squeeze %dma_start3A_120 : memref<1x64x768xf32, #tpu.memory_space<vmem>> -> memref<64x768xf32, #tpu.memory_space<vmem>>
    tpu.enqueue_dma source(%dma_start3A_121 : memref<64x768xf32, #tpu.memory_space<vmem>>) target(%dma_start3A_117 : memref<64x768xf32, #tpu.memory_space<hbm>>) target_semaphore(%arg8 : memref<!tpu.dma_semaphore, #tpu.memory_space<semaphore_mem>>)
    %dma_wait3A_122 = arith.constant 1 : i32
    %dma_wait3A_123 = arith.constant 0 : i32
    %dma_wait3A_124 = arith.constant 0 : i32
    %dma_wait3A_125 = tpu.memref_slice %arg6[%dma_wait3A_122, %dma_wait3A_123, %dma_wait3A_124] : memref<2x64x768xf32, #tpu.memory_space<vmem>> -> memref<1x64x768xf32, #tpu.memory_space<vmem>>
    %dma_wait3A_126 = tpu.memref_squeeze %dma_wait3A_125 : memref<1x64x768xf32, #tpu.memory_space<vmem>> -> memref<64x768xf32, #tpu.memory_space<vmem>>
    %dma_wait3A_127 = arith.constant 0 : i32
    %dma_wait3A_128 = tpu.memref_slice %arg4[%multiple_of3A_39, %dma_wait3A_127] : memref<10240x768xf32, #tpu.memory_space<hbm>> -> memref<64x768xf32, #tpu.memory_space<hbm>>
    %dma_wait3A_129 = arith.constant 0 : i32
    %dma_wait3A_130 = tpu.memref_slice %arg4[%multiple_of3A_39, %dma_wait3A_129] : memref<10240x768xf32, #tpu.memory_space<hbm>> -> memref<64x768xf32, #tpu.memory_space<hbm>>
    %dma_wait3A_131 = arith.constant 0 : i32
    %dma_wait3A_132 = arith.constant 0 : i32
    %dma_wait3A_133 = tpu.memref_slice %arg6[%dma_wait3A_122, %dma_wait3A_131, %dma_wait3A_132] : memref<2x64x768xf32, #tpu.memory_space<vmem>> -> memref<1x64x768xf32, #tpu.memory_space<vmem>>
    %dma_wait3A_134 = tpu.memref_squeeze %dma_wait3A_133 : memref<1x64x768xf32, #tpu.memory_space<vmem>> -> memref<64x768xf32, #tpu.memory_space<vmem>>
    tpu.wait_dma2 semaphore(%arg9 : memref<!tpu.dma_semaphore, #tpu.memory_space<semaphore_mem>>) src(%dma_wait3A_134 : memref<64x768xf32, #tpu.memory_space<vmem>>) dst(%dma_wait3A_130 : memref<64x768xf32, #tpu.memory_space<hbm>>)
    %add3A_135 = arith.constant 192 : i32
    %add3A_136 = arith.addi %multiple_of3A, %add3A_135 : i32
    %multiple_of3A_137 = tpu.assume_multiple %add3A_136, 64 : i32
    %dma_start3A_138 = arith.constant 1 : i32
    %dma_start3A_139 = arith.constant 0 : i32
    %dma_start3A_140 = arith.constant 0 : i32
    %dma_start3A_141 = tpu.memref_slice %arg6[%dma_start3A_138, %dma_start3A_139, %dma_start3A_140] : memref<2x64x768xf32, #tpu.memory_space<vmem>> -> memref<1x64x768xf32, #tpu.memory_space<vmem>>
    %dma_start3A_142 = tpu.memref_squeeze %dma_start3A_141 : memref<1x64x768xf32, #tpu.memory_space<vmem>> -> memref<64x768xf32, #tpu.memory_space<vmem>>
    %dma_start3A_143 = arith.constant 192 : i32
    %dma_start3A_144 = tpu.memref_slice %arg5[%dma_start3A_143] : memref<320xi32, #tpu.memory_space<vmem>> -> memref<64xi32, #tpu.memory_space<vmem>>
    %dma_start3A_145 = arith.constant 0 : i32
    %dma_start3A_146 = arith.constant 0 : i32
    %dma_start3A_147 = tpu.memref_slice %arg2[%dma_start3A_145, %dma_start3A_146] : memref<8192x768xf32, #tpu.memory_space<hbm>> -> memref<8192x768xf32, #tpu.memory_space<hbm>>
    tpu.enqueue_indirect_dma source(%dma_start3A_147 : memref<8192x768xf32, #tpu.memory_space<hbm>>) target(%dma_start3A_142 : memref<64x768xf32, #tpu.memory_space<vmem>>) offsets(%dma_start3A_144 : memref<64xi32, #tpu.memory_space<vmem>>) semaphore(%arg7 : memref<!tpu.dma_semaphore, #tpu.memory_space<semaphore_mem>>)
    %dma_wait3A_148 = arith.constant 1 : i32
    %dma_wait3A_149 = arith.constant 0 : i32
    %dma_wait3A_150 = arith.constant 0 : i32
    %dma_wait3A_151 = tpu.memref_slice %arg6[%dma_wait3A_148, %dma_wait3A_149, %dma_wait3A_150] : memref<2x64x768xf32, #tpu.memory_space<vmem>> -> memref<1x64x768xf32, #tpu.memory_space<vmem>>
    %dma_wait3A_152 = tpu.memref_squeeze %dma_wait3A_151 : memref<1x64x768xf32, #tpu.memory_space<vmem>> -> memref<64x768xf32, #tpu.memory_space<vmem>>
    %dma_wait3A_153 = arith.constant 192 : i32
    %dma_wait3A_154 = tpu.memref_slice %arg5[%dma_wait3A_153] : memref<320xi32, #tpu.memory_space<vmem>> -> memref<64xi32, #tpu.memory_space<vmem>>
    %dma_wait3A_155 = arith.constant 0 : i32
    %dma_wait3A_156 = arith.constant 0 : i32
    %dma_wait3A_157 = tpu.memref_slice %arg2[%dma_wait3A_155, %dma_wait3A_156] : memref<8192x768xf32, #tpu.memory_space<hbm>> -> memref<8192x768xf32, #tpu.memory_space<hbm>>
    tpu.wait_indirect_dma semaphore(%arg7 : memref<!tpu.dma_semaphore, #tpu.memory_space<semaphore_mem>>) src(%dma_wait3A_157 : memref<8192x768xf32, #tpu.memory_space<hbm>>) dst(%dma_wait3A_152 : memref<64x768xf32, #tpu.memory_space<vmem>>)
    %dma_start3A_158 = arith.constant 1 : i32
    %dma_start3A_159 = arith.constant 0 : i32
    %dma_start3A_160 = arith.constant 0 : i32
    %dma_start3A_161 = tpu.memref_slice %arg6[%dma_start3A_158, %dma_start3A_159, %dma_start3A_160] : memref<2x64x768xf32, #tpu.memory_space<vmem>> -> memref<1x64x768xf32, #tpu.memory_space<vmem>>
    %dma_start3A_162 = tpu.memref_squeeze %dma_start3A_161 : memref<1x64x768xf32, #tpu.memory_space<vmem>> -> memref<64x768xf32, #tpu.memory_space<vmem>>
    %dma_start3A_163 = arith.constant 0 : i32
    %dma_start3A_164 = tpu.memref_slice %arg4[%multiple_of3A_137, %dma_start3A_163] : memref<10240x768xf32, #tpu.memory_space<hbm>> -> memref<64x768xf32, #tpu.memory_space<hbm>>
    %dma_start3A_165 = arith.constant 0 : i32
    %dma_start3A_166 = tpu.memref_slice %arg4[%multiple_of3A_137, %dma_start3A_165] : memref<10240x768xf32, #tpu.memory_space<hbm>> -> memref<64x768xf32, #tpu.memory_space<hbm>>
    %dma_start3A_167 = arith.constant 0 : i32
    %dma_start3A_168 = arith.constant 0 : i32
    %dma_start3A_169 = tpu.memref_slice %arg6[%dma_start3A_158, %dma_start3A_167, %dma_start3A_168] : memref<2x64x768xf32, #tpu.memory_space<vmem>> -> memref<1x64x768xf32, #tpu.memory_space<vmem>>
    %dma_start3A_170 = tpu.memref_squeeze %dma_start3A_169 : memref<1x64x768xf32, #tpu.memory_space<vmem>> -> memref<64x768xf32, #tpu.memory_space<vmem>>
    tpu.enqueue_dma source(%dma_start3A_170 : memref<64x768xf32, #tpu.memory_space<vmem>>) target(%dma_start3A_166 : memref<64x768xf32, #tpu.memory_space<hbm>>) target_semaphore(%arg9 : memref<!tpu.dma_semaphore, #tpu.memory_space<semaphore_mem>>)
    %dma_wait3A_171 = arith.constant 0 : i32
    %dma_wait3A_172 = arith.constant 0 : i32
    %dma_wait3A_173 = arith.constant 0 : i32
    %dma_wait3A_174 = tpu.memref_slice %arg6[%dma_wait3A_171, %dma_wait3A_172, %dma_wait3A_173] : memref<2x64x768xf32, #tpu.memory_space<vmem>> -> memref<1x64x768xf32, #tpu.memory_space<vmem>>
    %dma_wait3A_175 = tpu.memref_squeeze %dma_wait3A_174 : memref<1x64x768xf32, #tpu.memory_space<vmem>> -> memref<64x768xf32, #tpu.memory_space<vmem>>
    %dma_wait3A_176 = arith.constant 0 : i32
    %dma_wait3A_177 = tpu.memref_slice %arg4[%multiple_of3A_88, %dma_wait3A_176] : memref<10240x768xf32, #tpu.memory_space<hbm>> -> memref<64x768xf32, #tpu.memory_space<hbm>>
    %dma_wait3A_178 = arith.constant 0 : i32
    %dma_wait3A_179 = tpu.memref_slice %arg4[%multiple_of3A_88, %dma_wait3A_178] : memref<10240x768xf32, #tpu.memory_space<hbm>> -> memref<64x768xf32, #tpu.memory_space<hbm>>
    %dma_wait3A_180 = arith.constant 0 : i32
    %dma_wait3A_181 = arith.constant 0 : i32
    %dma_wait3A_182 = tpu.memref_slice %arg6[%dma_wait3A_171, %dma_wait3A_180, %dma_wait3A_181] : memref<2x64x768xf32, #tpu.memory_space<vmem>> -> memref<1x64x768xf32, #tpu.memory_space<vmem>>
    %dma_wait3A_183 = tpu.memref_squeeze %dma_wait3A_182 : memref<1x64x768xf32, #tpu.memory_space<vmem>> -> memref<64x768xf32, #tpu.memory_space<vmem>>
    tpu.wait_dma2 semaphore(%arg8 : memref<!tpu.dma_semaphore, #tpu.memory_space<semaphore_mem>>) src(%dma_wait3A_183 : memref<64x768xf32, #tpu.memory_space<vmem>>) dst(%dma_wait3A_179 : memref<64x768xf32, #tpu.memory_space<hbm>>)
    %add3A_184 = arith.constant 256 : i32
    %add3A_185 = arith.addi %multiple_of3A, %add3A_184 : i32
    %multiple_of3A_186 = tpu.assume_multiple %add3A_185, 64 : i32
    %dma_start3A_187 = arith.constant 0 : i32
    %dma_start3A_188 = arith.constant 0 : i32
    %dma_start3A_189 = arith.constant 0 : i32
    %dma_start3A_190 = tpu.memref_slice %arg6[%dma_start3A_187, %dma_start3A_188, %dma_start3A_189] : memref<2x64x768xf32, #tpu.memory_space<vmem>> -> memref<1x64x768xf32, #tpu.memory_space<vmem>>
    %dma_start3A_191 = tpu.memref_squeeze %dma_start3A_190 : memref<1x64x768xf32, #tpu.memory_space<vmem>> -> memref<64x768xf32, #tpu.memory_space<vmem>>
    %dma_start3A_192 = arith.constant 256 : i32
    %dma_start3A_193 = tpu.memref_slice %arg5[%dma_start3A_192] : memref<320xi32, #tpu.memory_space<vmem>> -> memref<64xi32, #tpu.memory_space<vmem>>
    %dma_start3A_194 = arith.constant 0 : i32
    %dma_start3A_195 = arith.constant 0 : i32
    %dma_start3A_196 = tpu.memref_slice %arg2[%dma_start3A_194, %dma_start3A_195] : memref<8192x768xf32, #tpu.memory_space<hbm>> -> memref<8192x768xf32, #tpu.memory_space<hbm>>
    tpu.enqueue_indirect_dma source(%dma_start3A_196 : memref<8192x768xf32, #tpu.memory_space<hbm>>) target(%dma_start3A_191 : memref<64x768xf32, #tpu.memory_space<vmem>>) offsets(%dma_start3A_193 : memref<64xi32, #tpu.memory_space<vmem>>) semaphore(%arg7 : memref<!tpu.dma_semaphore, #tpu.memory_space<semaphore_mem>>)
    %dma_wait3A_197 = arith.constant 0 : i32
    %dma_wait3A_198 = arith.constant 0 : i32
    %dma_wait3A_199 = arith.constant 0 : i32
    %dma_wait3A_200 = tpu.memref_slice %arg6[%dma_wait3A_197, %dma_wait3A_198, %dma_wait3A_199] : memref<2x64x768xf32, #tpu.memory_space<vmem>> -> memref<1x64x768xf32, #tpu.memory_space<vmem>>
    %dma_wait3A_201 = tpu.memref_squeeze %dma_wait3A_200 : memref<1x64x768xf32, #tpu.memory_space<vmem>> -> memref<64x768xf32, #tpu.memory_space<vmem>>
    %dma_wait3A_202 = arith.constant 256 : i32
    %dma_wait3A_203 = tpu.memref_slice %arg5[%dma_wait3A_202] : memref<320xi32, #tpu.memory_space<vmem>> -> memref<64xi32, #tpu.memory_space<vmem>>
    %dma_wait3A_204 = arith.constant 0 : i32
    %dma_wait3A_205 = arith.constant 0 : i32
    %dma_wait3A_206 = tpu.memref_slice %arg2[%dma_wait3A_204, %dma_wait3A_205] : memref<8192x768xf32, #tpu.memory_space<hbm>> -> memref<8192x768xf32, #tpu.memory_space<hbm>>
    tpu.wait_indirect_dma semaphore(%arg7 : memref<!tpu.dma_semaphore, #tpu.memory_space<semaphore_mem>>) src(%dma_wait3A_206 : memref<8192x768xf32, #tpu.memory_space<hbm>>) dst(%dma_wait3A_201 : memref<64x768xf32, #tpu.memory_space<vmem>>)
    %dma_start3A_207 = arith.constant 0 : i32
    %dma_start3A_208 = arith.constant 0 : i32
    %dma_start3A_209 = arith.constant 0 : i32
    %dma_start3A_210 = tpu.memref_slice %arg6[%dma_start3A_207, %dma_start3A_208, %dma_start3A_209] : memref<2x64x768xf32, #tpu.memory_space<vmem>> -> memref<1x64x768xf32, #tpu.memory_space<vmem>>
    %dma_start3A_211 = tpu.memref_squeeze %dma_start3A_210 : memref<1x64x768xf32, #tpu.memory_space<vmem>> -> memref<64x768xf32, #tpu.memory_space<vmem>>
    %dma_start3A_212 = arith.constant 0 : i32
    %dma_start3A_213 = tpu.memref_slice %arg4[%multiple_of3A_186, %dma_start3A_212] : memref<10240x768xf32, #tpu.memory_space<hbm>> -> memref<64x768xf32, #tpu.memory_space<hbm>>
    %dma_start3A_214 = arith.constant 0 : i32
    %dma_start3A_215 = tpu.memref_slice %arg4[%multiple_of3A_186, %dma_start3A_214] : memref<10240x768xf32, #tpu.memory_space<hbm>> -> memref<64x768xf32, #tpu.memory_space<hbm>>
    %dma_start3A_216 = arith.constant 0 : i32
    %dma_start3A_217 = arith.constant 0 : i32
    %dma_start3A_218 = tpu.memref_slice %arg6[%dma_start3A_207, %dma_start3A_216, %dma_start3A_217] : memref<2x64x768xf32, #tpu.memory_space<vmem>> -> memref<1x64x768xf32, #tpu.memory_space<vmem>>
    %dma_start3A_219 = tpu.memref_squeeze %dma_start3A_218 : memref<1x64x768xf32, #tpu.memory_space<vmem>> -> memref<64x768xf32, #tpu.memory_space<vmem>>
    tpu.enqueue_dma source(%dma_start3A_219 : memref<64x768xf32, #tpu.memory_space<vmem>>) target(%dma_start3A_215 : memref<64x768xf32, #tpu.memory_space<hbm>>) target_semaphore(%arg8 : memref<!tpu.dma_semaphore, #tpu.memory_space<semaphore_mem>>)
    %dma_wait3A_220 = arith.constant 0 : i32
    %dma_wait3A_221 = arith.constant 0 : i32
    %dma_wait3A_222 = arith.constant 0 : i32
    %dma_wait3A_223 = tpu.memref_slice %arg6[%dma_wait3A_220, %dma_wait3A_221, %dma_wait3A_222] : memref<2x64x768xf32, #tpu.memory_space<vmem>> -> memref<1x64x768xf32, #tpu.memory_space<vmem>>
    %dma_wait3A_224 = tpu.memref_squeeze %dma_wait3A_223 : memref<1x64x768xf32, #tpu.memory_space<vmem>> -> memref<64x768xf32, #tpu.memory_space<vmem>>
    %dma_wait3A_225 = arith.constant 0 : i32
    %dma_wait3A_226 = tpu.memref_slice %arg4[%multiple_of3A_186, %dma_wait3A_225] : memref<10240x768xf32, #tpu.memory_space<hbm>> -> memref<64x768xf32, #tpu.memory_space<hbm>>
    %dma_wait3A_227 = arith.constant 0 : i32
    %dma_wait3A_228 = tpu.memref_slice %arg4[%multiple_of3A_186, %dma_wait3A_227] : memref<10240x768xf32, #tpu.memory_space<hbm>> -> memref<64x768xf32, #tpu.memory_space<hbm>>
    %dma_wait3A_229 = arith.constant 0 : i32
    %dma_wait3A_230 = arith.constant 0 : i32
    %dma_wait3A_231 = tpu.memref_slice %arg6[%dma_wait3A_220, %dma_wait3A_229, %dma_wait3A_230] : memref<2x64x768xf32, #tpu.memory_space<vmem>> -> memref<1x64x768xf32, #tpu.memory_space<vmem>>
    %dma_wait3A_232 = tpu.memref_squeeze %dma_wait3A_231 : memref<1x64x768xf32, #tpu.memory_space<vmem>> -> memref<64x768xf32, #tpu.memory_space<vmem>>
    tpu.wait_dma2 semaphore(%arg8 : memref<!tpu.dma_semaphore, #tpu.memory_space<semaphore_mem>>) src(%dma_wait3A_232 : memref<64x768xf32, #tpu.memory_space<vmem>>) dst(%dma_wait3A_228 : memref<64x768xf32, #tpu.memory_space<hbm>>)
    %dma_wait3A_233 = arith.constant 1 : i32
    %dma_wait3A_234 = arith.constant 0 : i32
    %dma_wait3A_235 = arith.constant 0 : i32
    %dma_wait3A_236 = tpu.memref_slice %arg6[%dma_wait3A_233, %dma_wait3A_234, %dma_wait3A_235] : memref<2x64x768xf32, #tpu.memory_space<vmem>> -> memref<1x64x768xf32, #tpu.memory_space<vmem>>
    %dma_wait3A_237 = tpu.memref_squeeze %dma_wait3A_236 : memref<1x64x768xf32, #tpu.memory_space<vmem>> -> memref<64x768xf32, #tpu.memory_space<vmem>>
    %dma_wait3A_238 = arith.constant 0 : i32
    %dma_wait3A_239 = tpu.memref_slice %arg4[%multiple_of3A_137, %dma_wait3A_238] : memref<10240x768xf32, #tpu.memory_space<hbm>> -> memref<64x768xf32, #tpu.memory_space<hbm>>
    %dma_wait3A_240 = arith.constant 0 : i32
    %dma_wait3A_241 = tpu.memref_slice %arg4[%multiple_of3A_137, %dma_wait3A_240] : memref<10240x768xf32, #tpu.memory_space<hbm>> -> memref<64x768xf32, #tpu.memory_space<hbm>>
    %dma_wait3A_242 = arith.constant 0 : i32
    %dma_wait3A_243 = arith.constant 0 : i32
    %dma_wait3A_244 = tpu.memref_slice %arg6[%dma_wait3A_233, %dma_wait3A_242, %dma_wait3A_243] : memref<2x64x768xf32, #tpu.memory_space<vmem>> -> memref<1x64x768xf32, #tpu.memory_space<vmem>>
    %dma_wait3A_245 = tpu.memref_squeeze %dma_wait3A_244 : memref<1x64x768xf32, #tpu.memory_space<vmem>> -> memref<64x768xf32, #tpu.memory_space<vmem>>
    tpu.wait_dma2 semaphore(%arg9 : memref<!tpu.dma_semaphore, #tpu.memory_space<semaphore_mem>>) src(%dma_wait3A_245 : memref<64x768xf32, #tpu.memory_space<vmem>>) dst(%dma_wait3A_241 : memref<64x768xf32, #tpu.memory_space<hbm>>)
    return
  }
}

#map = affine_map<(d0, d1) -> (0, 0)>
#map1 = affine_map<(d0, d1) -> (0)>
module attributes {stable_mosaic.version = 14 : i64} {
  func.func @k(%arg0: i32, %arg1: i32, %arg2: memref<8192x768xf32, #tpu.memory_space<hbm>>, %arg3: memref<10240xi32, #tpu.memory_space<hbm>>, %arg4: memref<10240x768xf32, #tpu.memory_space<hbm>>, %arg5: memref<320xi32, #tpu.memory_space<vmem>>, %arg6: memref<2x64x768xf32, #tpu.memory_space<vmem>>, %arg7: memref<!tpu.dma_semaphore, #tpu.memory_space<semaphore_mem>>, %arg8: memref<!tpu.dma_semaphore, #tpu.memory_space<semaphore_mem>>, %arg9: memref<!tpu.dma_semaphore, #tpu.memory_space<semaphore_mem>>) attributes {dimension_semantics = [#tpu.dimension_semantics<core_parallel>, #tpu.dimension_semantics<subcore_parallel>], iteration_bounds = array<i64: 2, 16>, scalar_prefetch = 0 : i64, scratch_operands = 5 : i64, tpu.core_type = #tpu.core_type<sc_vector_subcore>, window_params = [{transform_indices = #map}, {transform_indices = #map1}, {transform_indices = #map}]} {
    %mul3A = arith.constant 2 : i32
    %mul3A_0 = arith.muli %arg1, %mul3A : i32
    %add3A = arith.addi %mul3A_0, %arg0 : i32
    %mul3A_1 = arith.constant 320 : i32
    %mul3A_2 = arith.muli %add3A, %mul3A_1 : i32
    %multiple_of3A = tpu.assume_multiple %mul3A_2, 64 : i32
    "tpu.region"() ({
      %run_scoped3A = tpu.sem_alloc : memref<!tpu.dma_semaphore, #tpu.memory_space<semaphore_mem>>
      %dma_start3A_246 = tpu.memref_slice %arg3[%multiple_of3A] : memref<10240xi32, #tpu.memory_space<hbm>> -> memref<320xi32, #tpu.memory_space<hbm>>
      %dma_start3A_247 = tpu.memref_slice %arg3[%multiple_of3A] : memref<10240xi32, #tpu.memory_space<hbm>> -> memref<320xi32, #tpu.memory_space<hbm>>
      tpu.enqueue_dma source(%dma_start3A_247 : memref<320xi32, #tpu.memory_space<hbm>>) target(%arg5 : memref<320xi32, #tpu.memory_space<vmem>>) target_semaphore(%run_scoped3A : memref<!tpu.dma_semaphore, #tpu.memory_space<semaphore_mem>>)
      %dma_wait3A_248 = tpu.memref_slice %arg3[%multiple_of3A] : memref<10240xi32, #tpu.memory_space<hbm>> -> memref<320xi32, #tpu.memory_space<hbm>>
      %dma_wait3A_249 = tpu.memref_slice %arg3[%multiple_of3A] : memref<10240xi32, #tpu.memory_space<hbm>> -> memref<320xi32, #tpu.memory_space<hbm>>
      tpu.wait_dma2 semaphore(%run_scoped3A : memref<!tpu.dma_semaphore, #tpu.memory_space<semaphore_mem>>) src(%dma_wait3A_249 : memref<320xi32, #tpu.memory_space<hbm>>) dst(%arg5 : memref<320xi32, #tpu.memory_space<vmem>>)
      tpu.yield
    }) : () -> ()
    %add3A_3 = arith.constant 0 : i32
    %add3A_4 = arith.addi %multiple_of3A, %add3A_3 : i32
    %multiple_of3A_5 = tpu.assume_multiple %add3A_4, 64 : i32
    %dma_start3A = arith.constant 0 : i32
    %dma_start3A_6 = arith.constant 0 : i32
    %dma_start3A_7 = arith.constant 0 : i32
    %dma_start3A_8 = tpu.memref_slice %arg6[%dma_start3A, %dma_start3A_6, %dma_start3A_7] : memref<2x64x768xf32, #tpu.memory_space<vmem>> -> memref<1x64x768xf32, #tpu.memory_space<vmem>>
    %dma_start3A_9 = tpu.memref_squeeze %dma_start3A_8 : memref<1x64x768xf32, #tpu.memory_space<vmem>> -> memref<64x768xf32, #tpu.memory_space<vmem>>
    %dma_start3A_10 = arith.constant 0 : i32
    %dma_start3A_11 = tpu.memref_slice %arg5[%dma_start3A_10] : memref<320xi32, #tpu.memory_space<vmem>> -> memref<64xi32, #tpu.memory_space<vmem>>
    %dma_start3A_12 = arith.constant 0 : i32
    %dma_start3A_13 = arith.constant 0 : i32
    %dma_start3A_14 = tpu.memref_slice %arg2[%dma_start3A_12, %dma_start3A_13] : memref<8192x768xf32, #tpu.memory_space<hbm>> -> memref<8192x768xf32, #tpu.memory_space<hbm>>
    tpu.enqueue_indirect_dma source(%dma_start3A_14 : memref<8192x768xf32, #tpu.memory_space<hbm>>) target(%dma_start3A_9 : memref<64x768xf32, #tpu.memory_space<vmem>>) offsets(%dma_start3A_11 : memref<64xi32, #tpu.memory_space<vmem>>) semaphore(%arg7 : memref<!tpu.dma_semaphore, #tpu.memory_space<semaphore_mem>>)
    %dma_wait3A = arith.constant 0 : i32
    %dma_wait3A_15 = arith.constant 0 : i32
    %dma_wait3A_16 = arith.constant 0 : i32
    %dma_wait3A_17 = tpu.memref_slice %arg6[%dma_wait3A, %dma_wait3A_15, %dma_wait3A_16] : memref<2x64x768xf32, #tpu.memory_space<vmem>> -> memref<1x64x768xf32, #tpu.memory_space<vmem>>
    %dma_wait3A_18 = tpu.memref_squeeze %dma_wait3A_17 : memref<1x64x768xf32, #tpu.memory_space<vmem>> -> memref<64x768xf32, #tpu.memory_space<vmem>>
    %dma_wait3A_19 = arith.constant 0 : i32
    %dma_wait3A_20 = tpu.memref_slice %arg5[%dma_wait3A_19] : memref<320xi32, #tpu.memory_space<vmem>> -> memref<64xi32, #tpu.memory_space<vmem>>
    %dma_wait3A_21 = arith.constant 0 : i32
    %dma_wait3A_22 = arith.constant 0 : i32
    %dma_wait3A_23 = tpu.memref_slice %arg2[%dma_wait3A_21, %dma_wait3A_22] : memref<8192x768xf32, #tpu.memory_space<hbm>> -> memref<8192x768xf32, #tpu.memory_space<hbm>>
    tpu.wait_indirect_dma semaphore(%arg7 : memref<!tpu.dma_semaphore, #tpu.memory_space<semaphore_mem>>) src(%dma_wait3A_23 : memref<8192x768xf32, #tpu.memory_space<hbm>>) dst(%dma_wait3A_18 : memref<64x768xf32, #tpu.memory_space<vmem>>)
    %dma_start3A_24 = arith.constant 0 : i32
    %dma_start3A_25 = arith.constant 0 : i32
    %dma_start3A_26 = arith.constant 0 : i32
    %dma_start3A_27 = tpu.memref_slice %arg6[%dma_start3A_24, %dma_start3A_25, %dma_start3A_26] : memref<2x64x768xf32, #tpu.memory_space<vmem>> -> memref<1x64x768xf32, #tpu.memory_space<vmem>>
    %dma_start3A_28 = tpu.memref_squeeze %dma_start3A_27 : memref<1x64x768xf32, #tpu.memory_space<vmem>> -> memref<64x768xf32, #tpu.memory_space<vmem>>
    %dma_start3A_29 = arith.constant 0 : i32
    %dma_start3A_30 = tpu.memref_slice %arg4[%multiple_of3A_5, %dma_start3A_29] : memref<10240x768xf32, #tpu.memory_space<hbm>> -> memref<64x768xf32, #tpu.memory_space<hbm>>
    %dma_start3A_31 = arith.constant 0 : i32
    %dma_start3A_32 = tpu.memref_slice %arg4[%multiple_of3A_5, %dma_start3A_31] : memref<10240x768xf32, #tpu.memory_space<hbm>> -> memref<64x768xf32, #tpu.memory_space<hbm>>
    %dma_start3A_33 = arith.constant 0 : i32
    %dma_start3A_34 = arith.constant 0 : i32
    %dma_start3A_35 = tpu.memref_slice %arg6[%dma_start3A_24, %dma_start3A_33, %dma_start3A_34] : memref<2x64x768xf32, #tpu.memory_space<vmem>> -> memref<1x64x768xf32, #tpu.memory_space<vmem>>
    %dma_start3A_36 = tpu.memref_squeeze %dma_start3A_35 : memref<1x64x768xf32, #tpu.memory_space<vmem>> -> memref<64x768xf32, #tpu.memory_space<vmem>>
    tpu.enqueue_dma source(%dma_start3A_36 : memref<64x768xf32, #tpu.memory_space<vmem>>) target(%dma_start3A_32 : memref<64x768xf32, #tpu.memory_space<hbm>>) target_semaphore(%arg8 : memref<!tpu.dma_semaphore, #tpu.memory_space<semaphore_mem>>)
    %add3A_37 = arith.constant 64 : i32
    %add3A_38 = arith.addi %multiple_of3A, %add3A_37 : i32
    %multiple_of3A_39 = tpu.assume_multiple %add3A_38, 64 : i32
    %dma_start3A_40 = arith.constant 1 : i32
    %dma_start3A_41 = arith.constant 0 : i32
    %dma_start3A_42 = arith.constant 0 : i32
    %dma_start3A_43 = tpu.memref_slice %arg6[%dma_start3A_40, %dma_start3A_41, %dma_start3A_42] : memref<2x64x768xf32, #tpu.memory_space<vmem>> -> memref<1x64x768xf32, #tpu.memory_space<vmem>>
    %dma_start3A_44 = tpu.memref_squeeze %dma_start3A_43 : memref<1x64x768xf32, #tpu.memory_space<vmem>> -> memref<64x768xf32, #tpu.memory_space<vmem>>
    %dma_start3A_45 = arith.constant 64 : i32
    %dma_start3A_46 = tpu.memref_slice %arg5[%dma_start3A_45] : memref<320xi32, #tpu.memory_space<vmem>> -> memref<64xi32, #tpu.memory_space<vmem>>
    %dma_start3A_47 = arith.constant 0 : i32
    %dma_start3A_48 = arith.constant 0 : i32
    %dma_start3A_49 = tpu.memref_slice %arg2[%dma_start3A_47, %dma_start3A_48] : memref<8192x768xf32, #tpu.memory_space<hbm>> -> memref<8192x768xf32, #tpu.memory_space<hbm>>
    tpu.enqueue_indirect_dma source(%dma_start3A_49 : memref<8192x768xf32, #tpu.memory_space<hbm>>) target(%dma_start3A_44 : memref<64x768xf32, #tpu.memory_space<vmem>>) offsets(%dma_start3A_46 : memref<64xi32, #tpu.memory_space<vmem>>) semaphore(%arg7 : memref<!tpu.dma_semaphore, #tpu.memory_space<semaphore_mem>>)
    %dma_wait3A_50 = arith.constant 1 : i32
    %dma_wait3A_51 = arith.constant 0 : i32
    %dma_wait3A_52 = arith.constant 0 : i32
    %dma_wait3A_53 = tpu.memref_slice %arg6[%dma_wait3A_50, %dma_wait3A_51, %dma_wait3A_52] : memref<2x64x768xf32, #tpu.memory_space<vmem>> -> memref<1x64x768xf32, #tpu.memory_space<vmem>>
    %dma_wait3A_54 = tpu.memref_squeeze %dma_wait3A_53 : memref<1x64x768xf32, #tpu.memory_space<vmem>> -> memref<64x768xf32, #tpu.memory_space<vmem>>
    %dma_wait3A_55 = arith.constant 64 : i32
    %dma_wait3A_56 = tpu.memref_slice %arg5[%dma_wait3A_55] : memref<320xi32, #tpu.memory_space<vmem>> -> memref<64xi32, #tpu.memory_space<vmem>>
    %dma_wait3A_57 = arith.constant 0 : i32
    %dma_wait3A_58 = arith.constant 0 : i32
    %dma_wait3A_59 = tpu.memref_slice %arg2[%dma_wait3A_57, %dma_wait3A_58] : memref<8192x768xf32, #tpu.memory_space<hbm>> -> memref<8192x768xf32, #tpu.memory_space<hbm>>
    tpu.wait_indirect_dma semaphore(%arg7 : memref<!tpu.dma_semaphore, #tpu.memory_space<semaphore_mem>>) src(%dma_wait3A_59 : memref<8192x768xf32, #tpu.memory_space<hbm>>) dst(%dma_wait3A_54 : memref<64x768xf32, #tpu.memory_space<vmem>>)
    %dma_start3A_60 = arith.constant 1 : i32
    %dma_start3A_61 = arith.constant 0 : i32
    %dma_start3A_62 = arith.constant 0 : i32
    %dma_start3A_63 = tpu.memref_slice %arg6[%dma_start3A_60, %dma_start3A_61, %dma_start3A_62] : memref<2x64x768xf32, #tpu.memory_space<vmem>> -> memref<1x64x768xf32, #tpu.memory_space<vmem>>
    %dma_start3A_64 = tpu.memref_squeeze %dma_start3A_63 : memref<1x64x768xf32, #tpu.memory_space<vmem>> -> memref<64x768xf32, #tpu.memory_space<vmem>>
    %dma_start3A_65 = arith.constant 0 : i32
    %dma_start3A_66 = tpu.memref_slice %arg4[%multiple_of3A_39, %dma_start3A_65] : memref<10240x768xf32, #tpu.memory_space<hbm>> -> memref<64x768xf32, #tpu.memory_space<hbm>>
    %dma_start3A_67 = arith.constant 0 : i32
    %dma_start3A_68 = tpu.memref_slice %arg4[%multiple_of3A_39, %dma_start3A_67] : memref<10240x768xf32, #tpu.memory_space<hbm>> -> memref<64x768xf32, #tpu.memory_space<hbm>>
    %dma_start3A_69 = arith.constant 0 : i32
    %dma_start3A_70 = arith.constant 0 : i32
    %dma_start3A_71 = tpu.memref_slice %arg6[%dma_start3A_60, %dma_start3A_69, %dma_start3A_70] : memref<2x64x768xf32, #tpu.memory_space<vmem>> -> memref<1x64x768xf32, #tpu.memory_space<vmem>>
    %dma_start3A_72 = tpu.memref_squeeze %dma_start3A_71 : memref<1x64x768xf32, #tpu.memory_space<vmem>> -> memref<64x768xf32, #tpu.memory_space<vmem>>
    tpu.enqueue_dma source(%dma_start3A_72 : memref<64x768xf32, #tpu.memory_space<vmem>>) target(%dma_start3A_68 : memref<64x768xf32, #tpu.memory_space<hbm>>) target_semaphore(%arg9 : memref<!tpu.dma_semaphore, #tpu.memory_space<semaphore_mem>>)
    %dma_wait3A_73 = arith.constant 0 : i32
    %dma_wait3A_74 = arith.constant 0 : i32
    %dma_wait3A_75 = arith.constant 0 : i32
    %dma_wait3A_76 = tpu.memref_slice %arg6[%dma_wait3A_73, %dma_wait3A_74, %dma_wait3A_75] : memref<2x64x768xf32, #tpu.memory_space<vmem>> -> memref<1x64x768xf32, #tpu.memory_space<vmem>>
    %dma_wait3A_77 = tpu.memref_squeeze %dma_wait3A_76 : memref<1x64x768xf32, #tpu.memory_space<vmem>> -> memref<64x768xf32, #tpu.memory_space<vmem>>
    %dma_wait3A_78 = arith.constant 0 : i32
    %dma_wait3A_79 = tpu.memref_slice %arg4[%multiple_of3A_5, %dma_wait3A_78] : memref<10240x768xf32, #tpu.memory_space<hbm>> -> memref<64x768xf32, #tpu.memory_space<hbm>>
    %dma_wait3A_80 = arith.constant 0 : i32
    %dma_wait3A_81 = tpu.memref_slice %arg4[%multiple_of3A_5, %dma_wait3A_80] : memref<10240x768xf32, #tpu.memory_space<hbm>> -> memref<64x768xf32, #tpu.memory_space<hbm>>
    %dma_wait3A_82 = arith.constant 0 : i32
    %dma_wait3A_83 = arith.constant 0 : i32
    %dma_wait3A_84 = tpu.memref_slice %arg6[%dma_wait3A_73, %dma_wait3A_82, %dma_wait3A_83] : memref<2x64x768xf32, #tpu.memory_space<vmem>> -> memref<1x64x768xf32, #tpu.memory_space<vmem>>
    %dma_wait3A_85 = tpu.memref_squeeze %dma_wait3A_84 : memref<1x64x768xf32, #tpu.memory_space<vmem>> -> memref<64x768xf32, #tpu.memory_space<vmem>>
    tpu.wait_dma2 semaphore(%arg8 : memref<!tpu.dma_semaphore, #tpu.memory_space<semaphore_mem>>) src(%dma_wait3A_85 : memref<64x768xf32, #tpu.memory_space<vmem>>) dst(%dma_wait3A_81 : memref<64x768xf32, #tpu.memory_space<hbm>>)
    %add3A_86 = arith.constant 128 : i32
    %add3A_87 = arith.addi %multiple_of3A, %add3A_86 : i32
    %multiple_of3A_88 = tpu.assume_multiple %add3A_87, 64 : i32
    %dma_start3A_89 = arith.constant 0 : i32
    %dma_start3A_90 = arith.constant 0 : i32
    %dma_start3A_91 = arith.constant 0 : i32
    %dma_start3A_92 = tpu.memref_slice %arg6[%dma_start3A_89, %dma_start3A_90, %dma_start3A_91] : memref<2x64x768xf32, #tpu.memory_space<vmem>> -> memref<1x64x768xf32, #tpu.memory_space<vmem>>
    %dma_start3A_93 = tpu.memref_squeeze %dma_start3A_92 : memref<1x64x768xf32, #tpu.memory_space<vmem>> -> memref<64x768xf32, #tpu.memory_space<vmem>>
    %dma_start3A_94 = arith.constant 128 : i32
    %dma_start3A_95 = tpu.memref_slice %arg5[%dma_start3A_94] : memref<320xi32, #tpu.memory_space<vmem>> -> memref<64xi32, #tpu.memory_space<vmem>>
    %dma_start3A_96 = arith.constant 0 : i32
    %dma_start3A_97 = arith.constant 0 : i32
    %dma_start3A_98 = tpu.memref_slice %arg2[%dma_start3A_96, %dma_start3A_97] : memref<8192x768xf32, #tpu.memory_space<hbm>> -> memref<8192x768xf32, #tpu.memory_space<hbm>>
    tpu.enqueue_indirect_dma source(%dma_start3A_98 : memref<8192x768xf32, #tpu.memory_space<hbm>>) target(%dma_start3A_93 : memref<64x768xf32, #tpu.memory_space<vmem>>) offsets(%dma_start3A_95 : memref<64xi32, #tpu.memory_space<vmem>>) semaphore(%arg7 : memref<!tpu.dma_semaphore, #tpu.memory_space<semaphore_mem>>)
    %dma_wait3A_99 = arith.constant 0 : i32
    %dma_wait3A_100 = arith.constant 0 : i32
    %dma_wait3A_101 = arith.constant 0 : i32
    %dma_wait3A_102 = tpu.memref_slice %arg6[%dma_wait3A_99, %dma_wait3A_100, %dma_wait3A_101] : memref<2x64x768xf32, #tpu.memory_space<vmem>> -> memref<1x64x768xf32, #tpu.memory_space<vmem>>
    %dma_wait3A_103 = tpu.memref_squeeze %dma_wait3A_102 : memref<1x64x768xf32, #tpu.memory_space<vmem>> -> memref<64x768xf32, #tpu.memory_space<vmem>>
    %dma_wait3A_104 = arith.constant 128 : i32
    %dma_wait3A_105 = tpu.memref_slice %arg5[%dma_wait3A_104] : memref<320xi32, #tpu.memory_space<vmem>> -> memref<64xi32, #tpu.memory_space<vmem>>
    %dma_wait3A_106 = arith.constant 0 : i32
    %dma_wait3A_107 = arith.constant 0 : i32
    %dma_wait3A_108 = tpu.memref_slice %arg2[%dma_wait3A_106, %dma_wait3A_107] : memref<8192x768xf32, #tpu.memory_space<hbm>> -> memref<8192x768xf32, #tpu.memory_space<hbm>>
    tpu.wait_indirect_dma semaphore(%arg7 : memref<!tpu.dma_semaphore, #tpu.memory_space<semaphore_mem>>) src(%dma_wait3A_108 : memref<8192x768xf32, #tpu.memory_space<hbm>>) dst(%dma_wait3A_103 : memref<64x768xf32, #tpu.memory_space<vmem>>)
    %dma_start3A_109 = arith.constant 0 : i32
    %dma_start3A_110 = arith.constant 0 : i32
    %dma_start3A_111 = arith.constant 0 : i32
    %dma_start3A_112 = tpu.memref_slice %arg6[%dma_start3A_109, %dma_start3A_110, %dma_start3A_111] : memref<2x64x768xf32, #tpu.memory_space<vmem>> -> memref<1x64x768xf32, #tpu.memory_space<vmem>>
    %dma_start3A_113 = tpu.memref_squeeze %dma_start3A_112 : memref<1x64x768xf32, #tpu.memory_space<vmem>> -> memref<64x768xf32, #tpu.memory_space<vmem>>
    %dma_start3A_114 = arith.constant 0 : i32
    %dma_start3A_115 = tpu.memref_slice %arg4[%multiple_of3A_88, %dma_start3A_114] : memref<10240x768xf32, #tpu.memory_space<hbm>> -> memref<64x768xf32, #tpu.memory_space<hbm>>
    %dma_start3A_116 = arith.constant 0 : i32
    %dma_start3A_117 = tpu.memref_slice %arg4[%multiple_of3A_88, %dma_start3A_116] : memref<10240x768xf32, #tpu.memory_space<hbm>> -> memref<64x768xf32, #tpu.memory_space<hbm>>
    %dma_start3A_118 = arith.constant 0 : i32
    %dma_start3A_119 = arith.constant 0 : i32
    %dma_start3A_120 = tpu.memref_slice %arg6[%dma_start3A_109, %dma_start3A_118, %dma_start3A_119] : memref<2x64x768xf32, #tpu.memory_space<vmem>> -> memref<1x64x768xf32, #tpu.memory_space<vmem>>
    %dma_start3A_121 = tpu.memref_squeeze %dma_start3A_120 : memref<1x64x768xf32, #tpu.memory_space<vmem>> -> memref<64x768xf32, #tpu.memory_space<vmem>>
    tpu.enqueue_dma source(%dma_start3A_121 : memref<64x768xf32, #tpu.memory_space<vmem>>) target(%dma_start3A_117 : memref<64x768xf32, #tpu.memory_space<hbm>>) target_semaphore(%arg8 : memref<!tpu.dma_semaphore, #tpu.memory_space<semaphore_mem>>)
    %dma_wait3A_122 = arith.constant 1 : i32
    %dma_wait3A_123 = arith.constant 0 : i32
    %dma_wait3A_124 = arith.constant 0 : i32
    %dma_wait3A_125 = tpu.memref_slice %arg6[%dma_wait3A_122, %dma_wait3A_123, %dma_wait3A_124] : memref<2x64x768xf32, #tpu.memory_space<vmem>> -> memref<1x64x768xf32, #tpu.memory_space<vmem>>
    %dma_wait3A_126 = tpu.memref_squeeze %dma_wait3A_125 : memref<1x64x768xf32, #tpu.memory_space<vmem>> -> memref<64x768xf32, #tpu.memory_space<vmem>>
    %dma_wait3A_127 = arith.constant 0 : i32
    %dma_wait3A_128 = tpu.memref_slice %arg4[%multiple_of3A_39, %dma_wait3A_127] : memref<10240x768xf32, #tpu.memory_space<hbm>> -> memref<64x768xf32, #tpu.memory_space<hbm>>
    %dma_wait3A_129 = arith.constant 0 : i32
    %dma_wait3A_130 = tpu.memref_slice %arg4[%multiple_of3A_39, %dma_wait3A_129] : memref<10240x768xf32, #tpu.memory_space<hbm>> -> memref<64x768xf32, #tpu.memory_space<hbm>>
    %dma_wait3A_131 = arith.constant 0 : i32
    %dma_wait3A_132 = arith.constant 0 : i32
    %dma_wait3A_133 = tpu.memref_slice %arg6[%dma_wait3A_122, %dma_wait3A_131, %dma_wait3A_132] : memref<2x64x768xf32, #tpu.memory_space<vmem>> -> memref<1x64x768xf32, #tpu.memory_space<vmem>>
    %dma_wait3A_134 = tpu.memref_squeeze %dma_wait3A_133 : memref<1x64x768xf32, #tpu.memory_space<vmem>> -> memref<64x768xf32, #tpu.memory_space<vmem>>
    tpu.wait_dma2 semaphore(%arg9 : memref<!tpu.dma_semaphore, #tpu.memory_space<semaphore_mem>>) src(%dma_wait3A_134 : memref<64x768xf32, #tpu.memory_space<vmem>>) dst(%dma_wait3A_130 : memref<64x768xf32, #tpu.memory_space<hbm>>)
    %add3A_135 = arith.constant 192 : i32
    %add3A_136 = arith.addi %multiple_of3A, %add3A_135 : i32
    %multiple_of3A_137 = tpu.assume_multiple %add3A_136, 64 : i32
    %dma_start3A_138 = arith.constant 1 : i32
    %dma_start3A_139 = arith.constant 0 : i32
    %dma_start3A_140 = arith.constant 0 : i32
    %dma_start3A_141 = tpu.memref_slice %arg6[%dma_start3A_138, %dma_start3A_139, %dma_start3A_140] : memref<2x64x768xf32, #tpu.memory_space<vmem>> -> memref<1x64x768xf32, #tpu.memory_space<vmem>>
    %dma_start3A_142 = tpu.memref_squeeze %dma_start3A_141 : memref<1x64x768xf32, #tpu.memory_space<vmem>> -> memref<64x768xf32, #tpu.memory_space<vmem>>
    %dma_start3A_143 = arith.constant 192 : i32
    %dma_start3A_144 = tpu.memref_slice %arg5[%dma_start3A_143] : memref<320xi32, #tpu.memory_space<vmem>> -> memref<64xi32, #tpu.memory_space<vmem>>
    %dma_start3A_145 = arith.constant 0 : i32
    %dma_start3A_146 = arith.constant 0 : i32
    %dma_start3A_147 = tpu.memref_slice %arg2[%dma_start3A_145, %dma_start3A_146] : memref<8192x768xf32, #tpu.memory_space<hbm>> -> memref<8192x768xf32, #tpu.memory_space<hbm>>
    tpu.enqueue_indirect_dma source(%dma_start3A_147 : memref<8192x768xf32, #tpu.memory_space<hbm>>) target(%dma_start3A_142 : memref<64x768xf32, #tpu.memory_space<vmem>>) offsets(%dma_start3A_144 : memref<64xi32, #tpu.memory_space<vmem>>) semaphore(%arg7 : memref<!tpu.dma_semaphore, #tpu.memory_space<semaphore_mem>>)
    %dma_wait3A_148 = arith.constant 1 : i32
    %dma_wait3A_149 = arith.constant 0 : i32
    %dma_wait3A_150 = arith.constant 0 : i32
    %dma_wait3A_151 = tpu.memref_slice %arg6[%dma_wait3A_148, %dma_wait3A_149, %dma_wait3A_150] : memref<2x64x768xf32, #tpu.memory_space<vmem>> -> memref<1x64x768xf32, #tpu.memory_space<vmem>>
    %dma_wait3A_152 = tpu.memref_squeeze %dma_wait3A_151 : memref<1x64x768xf32, #tpu.memory_space<vmem>> -> memref<64x768xf32, #tpu.memory_space<vmem>>
    %dma_wait3A_153 = arith.constant 192 : i32
    %dma_wait3A_154 = tpu.memref_slice %arg5[%dma_wait3A_153] : memref<320xi32, #tpu.memory_space<vmem>> -> memref<64xi32, #tpu.memory_space<vmem>>
    %dma_wait3A_155 = arith.constant 0 : i32
    %dma_wait3A_156 = arith.constant 0 : i32
    %dma_wait3A_157 = tpu.memref_slice %arg2[%dma_wait3A_155, %dma_wait3A_156] : memref<8192x768xf32, #tpu.memory_space<hbm>> -> memref<8192x768xf32, #tpu.memory_space<hbm>>
    tpu.wait_indirect_dma semaphore(%arg7 : memref<!tpu.dma_semaphore, #tpu.memory_space<semaphore_mem>>) src(%dma_wait3A_157 : memref<8192x768xf32, #tpu.memory_space<hbm>>) dst(%dma_wait3A_152 : memref<64x768xf32, #tpu.memory_space<vmem>>)
    %dma_start3A_158 = arith.constant 1 : i32
    %dma_start3A_159 = arith.constant 0 : i32
    %dma_start3A_160 = arith.constant 0 : i32
    %dma_start3A_161 = tpu.memref_slice %arg6[%dma_start3A_158, %dma_start3A_159, %dma_start3A_160] : memref<2x64x768xf32, #tpu.memory_space<vmem>> -> memref<1x64x768xf32, #tpu.memory_space<vmem>>
    %dma_start3A_162 = tpu.memref_squeeze %dma_start3A_161 : memref<1x64x768xf32, #tpu.memory_space<vmem>> -> memref<64x768xf32, #tpu.memory_space<vmem>>
    %dma_start3A_163 = arith.constant 0 : i32
    %dma_start3A_164 = tpu.memref_slice %arg4[%multiple_of3A_137, %dma_start3A_163] : memref<10240x768xf32, #tpu.memory_space<hbm>> -> memref<64x768xf32, #tpu.memory_space<hbm>>
    %dma_start3A_165 = arith.constant 0 : i32
    %dma_start3A_166 = tpu.memref_slice %arg4[%multiple_of3A_137, %dma_start3A_165] : memref<10240x768xf32, #tpu.memory_space<hbm>> -> memref<64x768xf32, #tpu.memory_space<hbm>>
    %dma_start3A_167 = arith.constant 0 : i32
    %dma_start3A_168 = arith.constant 0 : i32
    %dma_start3A_169 = tpu.memref_slice %arg6[%dma_start3A_158, %dma_start3A_167, %dma_start3A_168] : memref<2x64x768xf32, #tpu.memory_space<vmem>> -> memref<1x64x768xf32, #tpu.memory_space<vmem>>
    %dma_start3A_170 = tpu.memref_squeeze %dma_start3A_169 : memref<1x64x768xf32, #tpu.memory_space<vmem>> -> memref<64x768xf32, #tpu.memory_space<vmem>>
    tpu.enqueue_dma source(%dma_start3A_170 : memref<64x768xf32, #tpu.memory_space<vmem>>) target(%dma_start3A_166 : memref<64x768xf32, #tpu.memory_space<hbm>>) target_semaphore(%arg9 : memref<!tpu.dma_semaphore, #tpu.memory_space<semaphore_mem>>)
    %dma_wait3A_171 = arith.constant 0 : i32
    %dma_wait3A_172 = arith.constant 0 : i32
    %dma_wait3A_173 = arith.constant 0 : i32
    %dma_wait3A_174 = tpu.memref_slice %arg6[%dma_wait3A_171, %dma_wait3A_172, %dma_wait3A_173] : memref<2x64x768xf32, #tpu.memory_space<vmem>> -> memref<1x64x768xf32, #tpu.memory_space<vmem>>
    %dma_wait3A_175 = tpu.memref_squeeze %dma_wait3A_174 : memref<1x64x768xf32, #tpu.memory_space<vmem>> -> memref<64x768xf32, #tpu.memory_space<vmem>>
    %dma_wait3A_176 = arith.constant 0 : i32
    %dma_wait3A_177 = tpu.memref_slice %arg4[%multiple_of3A_88, %dma_wait3A_176] : memref<10240x768xf32, #tpu.memory_space<hbm>> -> memref<64x768xf32, #tpu.memory_space<hbm>>
    %dma_wait3A_178 = arith.constant 0 : i32
    %dma_wait3A_179 = tpu.memref_slice %arg4[%multiple_of3A_88, %dma_wait3A_178] : memref<10240x768xf32, #tpu.memory_space<hbm>> -> memref<64x768xf32, #tpu.memory_space<hbm>>
    %dma_wait3A_180 = arith.constant 0 : i32
    %dma_wait3A_181 = arith.constant 0 : i32
    %dma_wait3A_182 = tpu.memref_slice %arg6[%dma_wait3A_171, %dma_wait3A_180, %dma_wait3A_181] : memref<2x64x768xf32, #tpu.memory_space<vmem>> -> memref<1x64x768xf32, #tpu.memory_space<vmem>>
    %dma_wait3A_183 = tpu.memref_squeeze %dma_wait3A_182 : memref<1x64x768xf32, #tpu.memory_space<vmem>> -> memref<64x768xf32, #tpu.memory_space<vmem>>
    tpu.wait_dma2 semaphore(%arg8 : memref<!tpu.dma_semaphore, #tpu.memory_space<semaphore_mem>>) src(%dma_wait3A_183 : memref<64x768xf32, #tpu.memory_space<vmem>>) dst(%dma_wait3A_179 : memref<64x768xf32, #tpu.memory_space<hbm>>)
    %add3A_184 = arith.constant 256 : i32
    %add3A_185 = arith.addi %multiple_of3A, %add3A_184 : i32
    %multiple_of3A_186 = tpu.assume_multiple %add3A_185, 64 : i32
    %dma_start3A_187 = arith.constant 0 : i32
    %dma_start3A_188 = arith.constant 0 : i32
    %dma_start3A_189 = arith.constant 0 : i32
    %dma_start3A_190 = tpu.memref_slice %arg6[%dma_start3A_187, %dma_start3A_188, %dma_start3A_189] : memref<2x64x768xf32, #tpu.memory_space<vmem>> -> memref<1x64x768xf32, #tpu.memory_space<vmem>>
    %dma_start3A_191 = tpu.memref_squeeze %dma_start3A_190 : memref<1x64x768xf32, #tpu.memory_space<vmem>> -> memref<64x768xf32, #tpu.memory_space<vmem>>
    %dma_start3A_192 = arith.constant 256 : i32
    %dma_start3A_193 = tpu.memref_slice %arg5[%dma_start3A_192] : memref<320xi32, #tpu.memory_space<vmem>> -> memref<64xi32, #tpu.memory_space<vmem>>
    %dma_start3A_194 = arith.constant 0 : i32
    %dma_start3A_195 = arith.constant 0 : i32
    %dma_start3A_196 = tpu.memref_slice %arg2[%dma_start3A_194, %dma_start3A_195] : memref<8192x768xf32, #tpu.memory_space<hbm>> -> memref<8192x768xf32, #tpu.memory_space<hbm>>
    tpu.enqueue_indirect_dma source(%dma_start3A_196 : memref<8192x768xf32, #tpu.memory_space<hbm>>) target(%dma_start3A_191 : memref<64x768xf32, #tpu.memory_space<vmem>>) offsets(%dma_start3A_193 : memref<64xi32, #tpu.memory_space<vmem>>) semaphore(%arg7 : memref<!tpu.dma_semaphore, #tpu.memory_space<semaphore_mem>>)
    %dma_wait3A_197 = arith.constant 0 : i32
    %dma_wait3A_198 = arith.constant 0 : i32
    %dma_wait3A_199 = arith.constant 0 : i32
    %dma_wait3A_200 = tpu.memref_slice %arg6[%dma_wait3A_197, %dma_wait3A_198, %dma_wait3A_199] : memref<2x64x768xf32, #tpu.memory_space<vmem>> -> memref<1x64x768xf32, #tpu.memory_space<vmem>>
    %dma_wait3A_201 = tpu.memref_squeeze %dma_wait3A_200 : memref<1x64x768xf32, #tpu.memory_space<vmem>> -> memref<64x768xf32, #tpu.memory_space<vmem>>
    %dma_wait3A_202 = arith.constant 256 : i32
    %dma_wait3A_203 = tpu.memref_slice %arg5[%dma_wait3A_202] : memref<320xi32, #tpu.memory_space<vmem>> -> memref<64xi32, #tpu.memory_space<vmem>>
    %dma_wait3A_204 = arith.constant 0 : i32
    %dma_wait3A_205 = arith.constant 0 : i32
    %dma_wait3A_206 = tpu.memref_slice %arg2[%dma_wait3A_204, %dma_wait3A_205] : memref<8192x768xf32, #tpu.memory_space<hbm>> -> memref<8192x768xf32, #tpu.memory_space<hbm>>
    tpu.wait_indirect_dma semaphore(%arg7 : memref<!tpu.dma_semaphore, #tpu.memory_space<semaphore_mem>>) src(%dma_wait3A_206 : memref<8192x768xf32, #tpu.memory_space<hbm>>) dst(%dma_wait3A_201 : memref<64x768xf32, #tpu.memory_space<vmem>>)
    %dma_start3A_207 = arith.constant 0 : i32
    %dma_start3A_208 = arith.constant 0 : i32
    %dma_start3A_209 = arith.constant 0 : i32
    %dma_start3A_210 = tpu.memref_slice %arg6[%dma_start3A_207, %dma_start3A_208, %dma_start3A_209] : memref<2x64x768xf32, #tpu.memory_space<vmem>> -> memref<1x64x768xf32, #tpu.memory_space<vmem>>
    %dma_start3A_211 = tpu.memref_squeeze %dma_start3A_210 : memref<1x64x768xf32, #tpu.memory_space<vmem>> -> memref<64x768xf32, #tpu.memory_space<vmem>>
    %dma_start3A_212 = arith.constant 0 : i32
    %dma_start3A_213 = tpu.memref_slice %arg4[%multiple_of3A_186, %dma_start3A_212] : memref<10240x768xf32, #tpu.memory_space<hbm>> -> memref<64x768xf32, #tpu.memory_space<hbm>>
    %dma_start3A_214 = arith.constant 0 : i32
    %dma_start3A_215 = tpu.memref_slice %arg4[%multiple_of3A_186, %dma_start3A_214] : memref<10240x768xf32, #tpu.memory_space<hbm>> -> memref<64x768xf32, #tpu.memory_space<hbm>>
    %dma_start3A_216 = arith.constant 0 : i32
    %dma_start3A_217 = arith.constant 0 : i32
    %dma_start3A_218 = tpu.memref_slice %arg6[%dma_start3A_207, %dma_start3A_216, %dma_start3A_217] : memref<2x64x768xf32, #tpu.memory_space<vmem>> -> memref<1x64x768xf32, #tpu.memory_space<vmem>>
    %dma_start3A_219 = tpu.memref_squeeze %dma_start3A_218 : memref<1x64x768xf32, #tpu.memory_space<vmem>> -> memref<64x768xf32, #tpu.memory_space<vmem>>
    tpu.enqueue_dma source(%dma_start3A_219 : memref<64x768xf32, #tpu.memory_space<vmem>>) target(%dma_start3A_215 : memref<64x768xf32, #tpu.memory_space<hbm>>) target_semaphore(%arg8 : memref<!tpu.dma_semaphore, #tpu.memory_space<semaphore_mem>>)
    %dma_wait3A_220 = arith.constant 0 : i32
    %dma_wait3A_221 = arith.constant 0 : i32
    %dma_wait3A_222 = arith.constant 0 : i32
    %dma_wait3A_223 = tpu.memref_slice %arg6[%dma_wait3A_220, %dma_wait3A_221, %dma_wait3A_222] : memref<2x64x768xf32, #tpu.memory_space<vmem>> -> memref<1x64x768xf32, #tpu.memory_space<vmem>>
    %dma_wait3A_224 = tpu.memref_squeeze %dma_wait3A_223 : memref<1x64x768xf32, #tpu.memory_space<vmem>> -> memref<64x768xf32, #tpu.memory_space<vmem>>
    %dma_wait3A_225 = arith.constant 0 : i32
    %dma_wait3A_226 = tpu.memref_slice %arg4[%multiple_of3A_186, %dma_wait3A_225] : memref<10240x768xf32, #tpu.memory_space<hbm>> -> memref<64x768xf32, #tpu.memory_space<hbm>>
    %dma_wait3A_227 = arith.constant 0 : i32
    %dma_wait3A_228 = tpu.memref_slice %arg4[%multiple_of3A_186, %dma_wait3A_227] : memref<10240x768xf32, #tpu.memory_space<hbm>> -> memref<64x768xf32, #tpu.memory_space<hbm>>
    %dma_wait3A_229 = arith.constant 0 : i32
    %dma_wait3A_230 = arith.constant 0 : i32
    %dma_wait3A_231 = tpu.memref_slice %arg6[%dma_wait3A_220, %dma_wait3A_229, %dma_wait3A_230] : memref<2x64x768xf32, #tpu.memory_space<vmem>> -> memref<1x64x768xf32, #tpu.memory_space<vmem>>
    %dma_wait3A_232 = tpu.memref_squeeze %dma_wait3A_231 : memref<1x64x768xf32, #tpu.memory_space<vmem>> -> memref<64x768xf32, #tpu.memory_space<vmem>>
    tpu.wait_dma2 semaphore(%arg8 : memref<!tpu.dma_semaphore, #tpu.memory_space<semaphore_mem>>) src(%dma_wait3A_232 : memref<64x768xf32, #tpu.memory_space<vmem>>) dst(%dma_wait3A_228 : memref<64x768xf32, #tpu.memory_space<hbm>>)
    %dma_wait3A_233 = arith.constant 1 : i32
    %dma_wait3A_234 = arith.constant 0 : i32
    %dma_wait3A_235 = arith.constant 0 : i32
    %dma_wait3A_236 = tpu.memref_slice %arg6[%dma_wait3A_233, %dma_wait3A_234, %dma_wait3A_235] : memref<2x64x768xf32, #tpu.memory_space<vmem>> -> memref<1x64x768xf32, #tpu.memory_space<vmem>>
    %dma_wait3A_237 = tpu.memref_squeeze %dma_wait3A_236 : memref<1x64x768xf32, #tpu.memory_space<vmem>> -> memref<64x768xf32, #tpu.memory_space<vmem>>
    %dma_wait3A_238 = arith.constant 0 : i32
    %dma_wait3A_239 = tpu.memref_slice %arg4[%multiple_of3A_137, %dma_wait3A_238] : memref<10240x768xf32, #tpu.memory_space<hbm>> -> memref<64x768xf32, #tpu.memory_space<hbm>>
    %dma_wait3A_240 = arith.constant 0 : i32
    %dma_wait3A_241 = tpu.memref_slice %arg4[%multiple_of3A_137, %dma_wait3A_240] : memref<10240x768xf32, #tpu.memory_space<hbm>> -> memref<64x768xf32, #tpu.memory_space<hbm>>
    %dma_wait3A_242 = arith.constant 0 : i32
    %dma_wait3A_243 = arith.constant 0 : i32
    %dma_wait3A_244 = tpu.memref_slice %arg6[%dma_wait3A_233, %dma_wait3A_242, %dma_wait3A_243] : memref<2x64x768xf32, #tpu.memory_space<vmem>> -> memref<1x64x768xf32, #tpu.memory_space<vmem>>
    %dma_wait3A_245 = tpu.memref_squeeze %dma_wait3A_244 : memref<1x64x768xf32, #tpu.memory_space<vmem>> -> memref<64x768xf32, #tpu.memory_space<vmem>>
    tpu.wait_dma2 semaphore(%arg9 : memref<!tpu.dma_semaphore, #tpu.memory_space<semaphore_mem>>) src(%dma_wait3A_245 : memref<64x768xf32, #tpu.memory_space<vmem>>) dst(%dma_wait3A_241 : memref<64x768xf32, #tpu.memory_space<hbm>>)
    return
  }
}

module attributes {stable_mosaic.version = 14 : i64} {
  func.func @_gate_body(%arg0: i32, %arg1: memref<512x768xf32, #tpu.memory_space<vmem>>, %arg2: memref<768x8xf32, #tpu.memory_space<vmem>>, %arg3: memref<512x8xf32, #tpu.memory_space<vmem>>) attributes {dimension_semantics = [#tpu.dimension_semantics<arbitrary>], iteration_bounds = array<i64: 16>, scalar_prefetch = 0 : i64, scratch_operands = 0 : i64, tpu.core_type = #tpu.core_type<tc>, window_params = [{transform_indices = @transform_0, window_bounds = array<i64: 512, 768>}, {pipeline_mode = #tpu.pipeline_mode<synchronous>, transform_indices = @transform_1, window_bounds = array<i64: 768, 8>}, {transform_indices = @transform_2, window_bounds = array<i64: 512, 8>}]} {
    %get3A = arith.constant 0 : index
    %get3A_0 = arith.constant 0 : index
    %get3A_1 = vector.load %arg1[%get3A, %get3A_0] : memref<512x768xf32, #tpu.memory_space<vmem>>, vector<512x768xf32>
    %get3A_2 = arith.constant 0 : index
    %get3A_3 = arith.constant 0 : index
    %get3A_4 = vector.load %arg2[%get3A_2, %get3A_3] : memref<768x8xf32, #tpu.memory_space<vmem>>, vector<768x8xf32>
    %dot_general3A = arith.constant dense<0.000000e+00> : vector<512x8xf32>
    %dot_general3A_5 = tpu.matmul %get3A_1, %get3A_4, %dot_general3A {dimension_numbers = #tpu.dot_dimension_numbers<[1], [0], [0], [1], [0, 0, 1, 1], [], []>, transpose_lhs_hint = false} : vector<512x768xf32>, vector<768x8xf32>, vector<512x8xf32> -> vector<512x8xf32>
    %reduce_max3A = arith.constant dense<0xFF800000> : vector<512xf32>
    %reduce_max3A_6 = vector.multi_reduction <maximumf>, %dot_general3A_5, %reduce_max3A [1] : vector<512x8xf32> to vector<512xf32>
    %max3A = arith.constant 0xFF800000 : f32
    %max3A_7 = vector.broadcast %max3A : f32 to vector<512xf32>
    %max3A_8 = arith.maximumf %max3A_7, %reduce_max3A_6 : vector<512xf32>
    %broadcast_in_dim3A = vector.shape_cast %max3A_8 : vector<512xf32> to vector<512x1xf32>
    %sub3A = vector.broadcast %broadcast_in_dim3A : vector<512x1xf32> to vector<512x8xf32>
    %sub3A_9 = arith.subf %dot_general3A_5, %sub3A : vector<512x8xf32>
    %exp3A = math.exp %sub3A_9 : vector<512x8xf32>
    %reduce_sum3A = arith.constant dense<0.000000e+00> : vector<512xf32>
    %reduce_sum3A_10 = vector.multi_reduction <add>, %exp3A, %reduce_sum3A [1] : vector<512x8xf32> to vector<512xf32>
    %broadcast_in_dim3A_11 = vector.shape_cast %reduce_sum3A_10 : vector<512xf32> to vector<512x1xf32>
    %div3A = vector.broadcast %broadcast_in_dim3A_11 : vector<512x1xf32> to vector<512x8xf32>
    %div3A_12 = arith.divf %exp3A, %div3A : vector<512x8xf32>
    %iota3A = tpu.iota {dimensions = array<i32: 1>} : vector<512x8xi32>
    %argmax3A = tpu.reduce_index %div3A_12 {axis = 1 : i32, kind = #tpu.reduction_kind<arg_max>} : vector<512x8xf32> -> vector<512xi32>
    %broadcast_in_dim3A_13 = vector.shape_cast %argmax3A : vector<512xi32> to vector<512x1xi32>
    %eq3A = vector.broadcast %broadcast_in_dim3A_13 : vector<512x1xi32> to vector<512x8xi32>
    %eq3A_14 = arith.cmpi eq, %iota3A, %eq3A : vector<512x8xi32>
    %reduce_max3A_15 = arith.constant dense<0xFF800000> : vector<512xf32>
    %reduce_max3A_16 = vector.multi_reduction <maximumf>, %div3A_12, %reduce_max3A_15 [1] : vector<512x8xf32> to vector<512xf32>
    %broadcast_in_dim3A_17 = vector.shape_cast %reduce_max3A_16 : vector<512xf32> to vector<512x1xf32>
    %jit3A = arith.constant 0xFF800000 : f32
    %broadcast_in_dim3A_18 = vector.broadcast %jit3A : f32 to vector<512x8xf32>
    %select_n3A = arith.select %eq3A_14, %broadcast_in_dim3A_18, %div3A_12 : vector<512x8xi1>, vector<512x8xf32>
    %argmax3A_19 = tpu.reduce_index %select_n3A {axis = 1 : i32, kind = #tpu.reduction_kind<arg_max>} : vector<512x8xf32> -> vector<512xi32>
    %reduce_max3A_20 = arith.constant dense<0xFF800000> : vector<512xf32>
    %reduce_max3A_21 = vector.multi_reduction <maximumf>, %select_n3A, %reduce_max3A_20 [1] : vector<512x8xf32> to vector<512xf32>
    %broadcast_in_dim3A_22 = vector.shape_cast %reduce_max3A_21 : vector<512xf32> to vector<512x1xf32>
    %add3A = arith.addf %broadcast_in_dim3A_17, %broadcast_in_dim3A_22 : vector<512x1xf32>
    %add3A_23 = arith.constant 9.99999971E-10 : f32
    %add3A_24 = vector.broadcast %add3A_23 : f32 to vector<512x1xf32>
    %add3A_25 = arith.addf %add3A, %add3A_24 : vector<512x1xf32>
    %squeeze3A = vector.shape_cast %add3A_25 : vector<512x1xf32> to vector<512xf32>
    %iota3A_26 = tpu.iota {dimensions = array<i32: 1>} : vector<512x8xi32>
    %eq3A_27 = arith.constant 0 : i32
    %eq3A_28 = vector.broadcast %eq3A_27 : i32 to vector<512x8xi32>
    %eq3A_29 = arith.cmpi eq, %iota3A_26, %eq3A_28 : vector<512x8xi32>
    %convert_element_type3A = arith.sitofp %argmax3A : vector<512xi32> to vector<512xf32>
    %broadcast_in_dim3A_30 = vector.shape_cast %convert_element_type3A : vector<512xf32> to vector<512x1xf32>
    %jit3A_31 = arith.constant 0.000000e+00 : f32
    %broadcast_in_dim3A_32 = vector.shape_cast %broadcast_in_dim3A_30 : vector<512x1xf32> to vector<512x1xf32>
    %broadcast_in_dim3A_33 = vector.broadcast %broadcast_in_dim3A_32 : vector<512x1xf32> to vector<512x8xf32>
    %broadcast_in_dim3A_34 = vector.broadcast %jit3A_31 : f32 to vector<512x8xf32>
    %select_n3A_35 = arith.select %eq3A_29, %broadcast_in_dim3A_33, %broadcast_in_dim3A_34 : vector<512x8xi1>, vector<512x8xf32>
    %eq3A_36 = arith.constant 1 : i32
    %eq3A_37 = vector.broadcast %eq3A_36 : i32 to vector<512x8xi32>
    %eq3A_38 = arith.cmpi eq, %iota3A_26, %eq3A_37 : vector<512x8xi32>
    %convert_element_type3A_39 = arith.sitofp %argmax3A_19 : vector<512xi32> to vector<512xf32>
    %broadcast_in_dim3A_40 = vector.shape_cast %convert_element_type3A_39 : vector<512xf32> to vector<512x1xf32>
    %jit3A_41 = arith.constant 0.000000e+00 : f32
    %broadcast_in_dim3A_42 = vector.shape_cast %broadcast_in_dim3A_40 : vector<512x1xf32> to vector<512x1xf32>
    %broadcast_in_dim3A_43 = vector.broadcast %broadcast_in_dim3A_42 : vector<512x1xf32> to vector<512x8xf32>
    %broadcast_in_dim3A_44 = vector.broadcast %jit3A_41 : f32 to vector<512x8xf32>
    %select_n3A_45 = arith.select %eq3A_38, %broadcast_in_dim3A_43, %broadcast_in_dim3A_44 : vector<512x8xi1>, vector<512x8xf32>
    %add3A_46 = arith.addf %select_n3A_35, %select_n3A_45 : vector<512x8xf32>
    %eq3A_47 = arith.constant 2 : i32
    %eq3A_48 = vector.broadcast %eq3A_47 : i32 to vector<512x8xi32>
    %eq3A_49 = arith.cmpi eq, %iota3A_26, %eq3A_48 : vector<512x8xi32>
    %squeeze3A_50 = vector.shape_cast %broadcast_in_dim3A_17 : vector<512x1xf32> to vector<512xf32>
    %div3A_51 = arith.divf %squeeze3A_50, %squeeze3A : vector<512xf32>
    %broadcast_in_dim3A_52 = vector.shape_cast %div3A_51 : vector<512xf32> to vector<512x1xf32>
    %jit3A_53 = arith.constant 0.000000e+00 : f32
    %broadcast_in_dim3A_54 = vector.shape_cast %broadcast_in_dim3A_52 : vector<512x1xf32> to vector<512x1xf32>
    %broadcast_in_dim3A_55 = vector.broadcast %broadcast_in_dim3A_54 : vector<512x1xf32> to vector<512x8xf32>
    %broadcast_in_dim3A_56 = vector.broadcast %jit3A_53 : f32 to vector<512x8xf32>
    %select_n3A_57 = arith.select %eq3A_49, %broadcast_in_dim3A_55, %broadcast_in_dim3A_56 : vector<512x8xi1>, vector<512x8xf32>
    %add3A_58 = arith.addf %add3A_46, %select_n3A_57 : vector<512x8xf32>
    %eq3A_59 = arith.constant 3 : i32
    %eq3A_60 = vector.broadcast %eq3A_59 : i32 to vector<512x8xi32>
    %eq3A_61 = arith.cmpi eq, %iota3A_26, %eq3A_60 : vector<512x8xi32>
    %squeeze3A_62 = vector.shape_cast %broadcast_in_dim3A_22 : vector<512x1xf32> to vector<512xf32>
    %div3A_63 = arith.divf %squeeze3A_62, %squeeze3A : vector<512xf32>
    %broadcast_in_dim3A_64 = vector.shape_cast %div3A_63 : vector<512xf32> to vector<512x1xf32>
    %jit3A_65 = arith.constant 0.000000e+00 : f32
    %broadcast_in_dim3A_66 = vector.shape_cast %broadcast_in_dim3A_64 : vector<512x1xf32> to vector<512x1xf32>
    %broadcast_in_dim3A_67 = vector.broadcast %broadcast_in_dim3A_66 : vector<512x1xf32> to vector<512x8xf32>
    %broadcast_in_dim3A_68 = vector.broadcast %jit3A_65 : f32 to vector<512x8xf32>
    %select_n3A_69 = arith.select %eq3A_61, %broadcast_in_dim3A_67, %broadcast_in_dim3A_68 : vector<512x8xi1>, vector<512x8xf32>
    %add3A_70 = arith.addf %add3A_58, %select_n3A_69 : vector<512x8xf32>
    %swap3A = arith.constant 0 : index
    %swap3A_71 = arith.constant 0 : index
    %swap3A_72 = vector.load %arg3[%swap3A, %swap3A_71] : memref<512x8xf32, #tpu.memory_space<vmem>>, vector<512x8xf32>
    tpu.vector_store %arg3[%swap3A, %swap3A_71], %add3A_70 {strides = array<i32>} : memref<512x8xf32, #tpu.memory_space<vmem>>, vector<512x8xf32>,
    return
  }
  func.func @transform_0(%arg0: i32) -> (i32, i32) {
    %c0_i32 = arith.constant 0 : i32
    %c0_i32_0 = arith.constant 0 : i32
    return %arg0, %c0_i32 : i32, i32
  }
  func.func @transform_1(%arg0: i32) -> (i32, i32) {
    %c0_i32 = arith.constant 0 : i32
    %c0_i32_0 = arith.constant 0 : i32
    %c0_i32_1 = arith.constant 0 : i32
    return %c0_i32, %c0_i32_0 : i32, i32
  }
  func.func @transform_2(%arg0: i32) -> (i32, i32) {
    %c0_i32 = arith.constant 0 : i32
    %c0_i32_0 = arith.constant 0 : i32
    return %arg0, %c0_i32 : i32, i32
  }
}

</mosaic_0001>

<sc_bundles>
// kernel: kernel.5.cloned.1.call-start
scs
__scs_entry_jumppad:
0x0: {  	(pc) =	sbr.rel $0x88, $3  }
0x1: {  	(tag) =	ssettag $0x0;
	lr =	simm.s32 $0x1  }
0x2: {  	[smem:$0x3F97] =	sst lr;
	_ =	strace $0xD0000000  }
0x3: {  	_ = 	snop  }
0x4: {  	_ = 	snop  }
0x5: {  	_ = 	snop  }
0x6: {  	_ = 	snop  }
0x7: {  	_ = 	snop  }
__scs_overlays_trampoline_lowered:
0x8: {  	[smem:$0x3FA6] =	sst s0  }
0x9: {  	[smem:$0x3FA7] =	sst s1  }
0xa: {  	[smem:$0x3FA8] =	sst s2  }
0xb: {  	[smem:$0x3FA9] =	sst s3  }
0xc: {  	[smem:$0x3FAA] =	sst s4  }
0xd: {  	[smem:$0x3FAB] =	sst s5  }
0xe: {  	[smem:$0x3FAC] =	sst s6  }
0xf: {  	[smem:$0x3FAD] =	sst s7  }
0x10: {  	[smem:$0x3FAE] =	sst s8  }
0x11: {  	[smem:$0x3FAF] =	sst s9;
	s0 =	simm.s32 @!p0 $0x0  }
0x12: {  	s1 =	sld [smem:$0x3F95];
	s0 =	simm.s32 @p0 $0x1  }
0x13: {  	[smem:$0x3FB0] =	sst s0;
	s0 =	simm.s32 @!p1 $0x0  }
0x14: {  	s2 =	sld [smem:$0x3F94];
	s0 =	simm.s32 @p1 $0x1  }
0x15: {  	[smem:$0x3FB1] =	sst s0;
	s0 =	simm.s32 @!p2 $0x0  }
0x16: {  	s3 =	sld [smem:$0x3FDB];
	s0 =	simm.s32 @p2 $0x1  }
0x17: {  	s4 =	simm.s32 $0x1BF5;
	[smem:$0x3FB3] =	sst s0  }
0x18: {  	s0 =	sld [smem:$0x3F96];
	_ =	swait.ge [sflag:s4], $0x0  }
0x19: {  	s7 =	sld [smem:$0x3F97]  }
0x1a: {  	s8 =	sadd.s32 $0xFFFFE003, lr  }
0x1b: {  	s9 =	sadd.s32 $0xFFFFFEF7, lr;
	s5 =	simm.s32 $0xFFFFFFFF;
	p2 =	slt.u32 s8, $0xFFFFF086  }
0x1c: {  	p1 =	slt.u32 s9, $0xF7A;
	s5 =	simm.s32 @!p2 $0x0  }
0x1d: {  	s5 =	simm.s32 @p1 $0x1;
	p0 =	seq.s32 s7, s2  }
0x1e: {  	s7 =	smul.u32 @!p0 $0xF7A, s2;
	p2 =	seq.s32 @!p0 s5, $0x0  }
0x1f: {  	s9 =	smul.u32 $0xF7A, s1;
	s8 =	simm.s32 @!p0 $0x1BF5;
	p2 =	por !p2, p0  }
0x20: {  	[sflag:s8] =	ssyncset.s32 @!p0 $0xFFFFF086;
	s6 =	sadd.s32 @!p0 s3, s7;
	s7 =	simm.s32 @!p0 $0x108  }
0x21: {  	s3 =	sadd.s32 s3, s9;
	s6 =	sadd.s32 @!p0 $0x88, s6;
	s7 =	simm.s32 @p2 $0x1082  }
0x22: {  	[simem:s7], [sflag:s8] =	dma.local @!p0 [hbm:s6], $0xF7A  }
0x23: {  	s9 =	sor.u32 $0xD0000000, s2;
	s6 =	simm.s32 $0x108;
	_ =	swait.ge @!p0 [sflag:s8], $0x0  }
0x24: {  	s3 =	sadd.s32 $0x88, s3;
	s6 =	simm.s32 @!p1 $0x1082;
	[sflag:s4] =	ssyncset.s32 $0xFFFFF086  }
0x25: {  	[simem:s6], [sflag:s4] =	dma.local [hbm:s3], $0xF7A  }
0x26: {  	[smem:$0x3F97] =	sst s1;
	(tag) =	ssettag s2;
	_ =	strace s9  }
0x27: {  	s1 =	sld [smem:$0x3FA7]  }
0x28: {  	s2 =	sld [smem:$0x3FA8]  }
0x29: {  	s4 =	sld [smem:$0x3FAA]  }
0x2a: {  	p0 =	seq.s32 s5, $0x0;
	s5 =	sld [smem:$0x3FAB]  }
0x2b: {  	s6 =	sld [smem:$0x3FAC]  }
0x2c: {  	s7 =	sld [smem:$0x3FAD]  }
0x2d: {  	s3 =	simm.s32 $0x108;
	s8 =	sld [smem:$0x3FAE]  }
0x2e: {  	s3 =	simm.s32 @!p0 $0x1082;
	s9 =	sld [smem:$0x3FAF]  }
0x2f: {  	lr =	sadd.s32 s0, s3;
	s0 =	sld [smem:$0x3FA6]  }
0x30: {  	s3 =	sld [smem:$0x3FA9]  }
0x31: {  	[smem:$0x3FB2] =	sst s10  }
0x32: {  	s10 =	sld [smem:$0x3FB0];
	_ =	sdelay $0x3  }
0x33: {  	p0 =	seq.s32 s10, $0x1;
	s10 =	sld [smem:$0x3FB2];
	_ =	sdelay $0x3  }
0x34: {  	[smem:$0x3FB2] =	sst s10  }
0x35: {  	s10 =	sld [smem:$0x3FB1];
	_ =	sdelay $0x3  }
0x36: {  	p1 =	seq.s32 s10, $0x1;
	s10 =	sld [smem:$0x3FB2];
	_ =	sdelay $0x3  }
0x37: {  	[smem:$0x3FB2] =	sst s10  }
0x38: {  	s10 =	sld [smem:$0x3FB3]  }
0x39: {  	_ = 	snop;
	(pc) =	sbr.ind lr, $3  }
0x3a: {  	_ = 	snop  }
0x3b: {  	_ = 	snop  }
0x3c: {  	p2 =	seq.s32 s10, $0x1;
	s10 =	sld [smem:$0x3FB2]  }
0x3d: {  	_ =	shalt  }
0x3e: {  	_ =	shalt  }
0x3f: {  	_ =	shalt  }
0x40: {  	_ =	shalt  }
0x41: {  	_ =	shalt  }
0x42: {  	_ =	shalt  }
0x43: {  	_ =	shalt  }
0x44: {  	_ =	shalt  }
0x45: {  	_ =	shalt  }
0x46: {  	_ =	shalt  }
0x47: {  	_ =	shalt  }
0x48: {  	_ =	shalt  }
0x49: {  	_ =	shalt  }
0x4a: {  	_ =	shalt  }
0x4b: {  	_ =	shalt  }
0x4c: {  	_ =	shalt  }
0x4d: {  	_ =	shalt  }
0x4e: {  	_ =	shalt  }
0x4f: {  	_ =	shalt  }
0x50: {  	_ =	shalt  }
0x51: {  	_ =	shalt  }
0x52: {  	_ =	shalt  }
0x53: {  	_ =	shalt  }
0x54: {  	_ =	shalt  }
0x55: {  	_ =	shalt  }
0x56: {  	_ =	shalt  }
0x57: {  	_ =	shalt  }
0x58: {  	_ =	shalt  }
0x59: {  	_ =	shalt  }
0x5a: {  	_ =	shalt  }
0x5b: {  	_ =	shalt  }
0x5c: {  	_ =	shalt  }
0x5d: {  	_ =	shalt  }
0x5e: {  	_ =	shalt  }
0x5f: {  	_ =	shalt  }
0x60: {  	_ =	shalt  }
0x61: {  	_ =	shalt  }
0x62: {  	_ =	shalt  }
0x63: {  	_ =	shalt  }
0x64: {  	_ =	shalt  }
0x65: {  	_ =	shalt  }
0x66: {  	_ =	shalt  }
0x67: {  	_ =	shalt  }
0x68: {  	_ =	shalt  }
0x69: {  	_ =	shalt  }
0x6a: {  	_ =	shalt  }
0x6b: {  	_ =	shalt  }
0x6c: {  	_ =	shalt  }
0x6d: {  	_ =	shalt  }
0x6e: {  	_ =	shalt  }
0x6f: {  	_ =	shalt  }
0x70: {  	_ =	shalt  }
0x71: {  	_ =	shalt  }
0x72: {  	_ =	shalt  }
0x73: {  	_ =	shalt  }
0x74: {  	_ =	shalt  }
0x75: {  	_ =	shalt  }
0x76: {  	_ =	shalt  }
0x77: {  	_ =	shalt  }
0x78: {  	_ =	shalt  }
0x79: {  	_ =	shalt  }
0x7a: {  	_ =	shalt  }
0x7b: {  	_ =	shalt  }
0x7c: {  	_ =	shalt  }
0x7d: {  	_ =	shalt  }
0x7e: {  	_ =	shalt  }
0x7f: {  	_ =	shalt  }
0x80: {  	_ =	shalt  }
0x81: {  	_ =	shalt  }
0x82: {  	_ =	shalt  }
0x83: {  	_ =	shalt  }
0x84: {  	_ =	shalt  }
0x85: {  	_ =	shalt  }
0x86: {  	_ =	shalt  }
0x87: {  	_ =	shalt  }
.Lfunc_end0:
.L_simem_size_0:
called_computation_lowered:
.L_overlay_start_0:
0x88: {  	s2 =	sld [smem:$0x3FD9]  }
0x89: {  	s3 =	sld [smem:$0x3FFE];
	_ =	sdelay $0x1  }
0x8a: {  	s1 =	srdreg.scid  }
0x8b: {  	s0 =	sand.u32 $0x1, s1  }
0x8c: {  	s17 =	sshll.u32 s0, $0xA;
	s2 =	sadd.s32 s3, s2  }
0x8d: {  	s2 =	sadd.s32 s2, s17  }
0x8e: {  	[smem:$0x3FBE] =	sst s2  }
0x8f: {  	_ = 	snop  }
0x90: {  	s2 =	sld [smem:$0x3FC9]  }
0x91: {  	s18 =	sld [smem:$0x3FD0];
	(tm) =	ssettm $0x1  }
0x92: {  	s4 =	sld [smem:$0x3FFB];
	_ =	sdelay $0x3  }
0x93: {  	_ =	strace s4  }
0x94: {  	s4 =	sld [smem:$0x3FFC];
	_ =	sdelay $0x3  }
0x95: {  	_ =	strace s4  }
0x96: {  	s4 =	sld [smem:$0x3FFD];
	_ =	sdelay $0x3  }
0x97: {  	_ =	strace s4  }
0x98: {  	_ =	strace $0x8FFFFFFF  }
0x99: {  	s19 =	sld [smem:$0x3FDB];
	_ =	sdelay $0x1  }
0x9a: {  	s5 =	simm.s32 $_scs_section_size  }
0x9b: {  	s6 =	simm.s32 $_size__tile_overlayer_lowered;
	s7 =	simm.s32 $_tile_overlayer_lowered  }
0x9c: {  	s22 =	simm.s32 $0x1BFF;
	s21 =	sshll.u32 s7, $0x1;
	s4 =	sadd.s32 s5, s19  }
0x9d: {  	s8 =	simm.s32 $0x0;
	s20 =	sshll.u32 s6, $0x1;
	s6 =	sadd.s32 s21, s4  }
0x9e: {  	[timem:s8], [sflag:s22] =	dma.local [hbm:s6], s20  }
0x9f: {  	_ =	swait.ge [sflag:s22], s20  }
0xa0: {  	s5 =	ssub.s32 $0x0, s20;
	[sflag:s22] =	ssyncset.done $0x0  }
0xa1: {  	[sflag:s22] =	ssyncadd.s32 s5;
	_ =	sdelay $0x1  }
0xa2: {  	s23 =	simm.s32 $0x1B8B  }
0xa3: {  	_ =	swait.ge [sflag:s23], $0x1  }
0xa4: {  	[sflag:s23] =	ssyncset.done $0x0  }
0xa5: {  	s25 =	simm.s32 $0x1B8E;
	s24 =	sld [smem:$0x3FFE];
	[sflag:s23] =	ssyncadd.s32 $0xFFFFFFFF  }
0xa6: {  	s26 =	simm.s32 $execute0_lowered;
	[smem:$0x3FD2] =	sst s25  }
0xa7: {  	s6 =	sshll.u32 s26, $0x1;
	_ =	strace $0x80000046;
	[dreg:$0x1] =	wrdreg $0xFFFFFFFF  }
0xa8: {  	s28 =	simm.s32 $_size_execute0_lowered;
	s4 =	sadd.s32 s4, s6;
	[dreg:$0x0] =	wrdreg $0x0  }
0xa9: {  	s6 =	sshll.u32 s28, $0x1;
	[dreg:$0x2] =	wrdreg s4  }
0xaa: {  	[dreg:$0x3] =	wrdreg s6  }
0xab: {  	[dreg:$0x4] =	wrdreg $0xC0  }
0xac: {  	_ =	task [dreg:s8], $0x5FFFF  }
0xad: {  	[dreg:$0x1] =	wrdreg $0xFFFFFFFF  }
0xae: {  	[dreg:$0x0] =	wrdreg $0x60  }
0xaf: {  	[dreg:$0x2] =	wrdreg s2  }
0xb0: {  	[dreg:$0x3] =	wrdreg s18  }
0xb1: {  	[dreg:$0x4] =	wrdreg s24  }
0xb2: {  	[dreg:$0x5] =	wrdreg $0x9  }
0xb3: {  	_ =	task.clear_ibuf [dreg:s8], $0x6FFFF;
	_ =	strace $0x90000046  }
0xb4: {  	s29 =	simm.s32 $0x9;
	_ =	strace $0x80000048  }
0xb5: {  	_ =	swait.ge [sflag:s29], $0x1  }
0xb6: {  	[sflag:s29] =	ssyncadd.s32 $0xFFFFFFFF  }
0xb7: {  	_ =	strace $0x90000048  }
0xb8: {  	_ =	sfence  }
0xb9: {  	s30 =	sld [smem:$0x0];
	_ =	sdelay $0x2  }
0xba: {  	s31 =	sshll.u32 s1, $0xD;
	s1 =	sshrl.u32 s1, $0x2  }
0xbb: {  	s3 =	sand.u32 $0x4000, s31;
	s1 =	sadd.s32 s1, s30  }
0xbc: {  	s0 =	sor.u32 s3, s0;
	s1 =	sshll.u32 s1, $0x11  }
0xbd: {  	s0 =	sor.u32 s1, s0  }
0xbe: {  	s0 =	sadd.s32 $0x8F2B, s0  }
0xbf: {  	[sflag:s0] =	ssyncadd.remote.s32 $0x1  }
0xc0: {  	_ =	sfence.sel $0xFFFF  }
0xc1: {  	[dreg:$0x0] =	wrdreg $0xFFFFFFFF;
	(pc) =	sbr.abs _section_cstart, $3  }
0xc2: {  	[dreg:$0x1] =	wrdreg $0xFFFFFFFF  }
0xc3: {  	_ =	task.clear_ibuf [dreg:s8], $0x2FFFF;
	_ =	strace $0x9FFFFFFF  }
0xc4: {  	(tm) =	ssettm $0x7FFFFFFF  }
0xc5: {  	_ =	shalt  }
tec
execute0_lowered:
.L_overlay_start_1:
0x0: {  	(tag) =	ssettag $0x1  }
0x1: {  	s0 =	srdreg.scid;
	s2 =	rddreg [dreg:$0x0]  }
0x2: {  	s1 =	stileid.u32;
	s4 =	rddreg [dreg:$0x1]  }
0x3: {  	s5 =	rddreg [dreg:$0x2];
	s3 =	simm.s32 $0x0;
	s7 =	simm.s32 $0x2  }
0x4: {  	s10 =	simm.s32 $0x180;
	s12 =	simm.s32 $0xD980;
	s13 =	simm.s32 $0xE180  }
0x5: {  	s14 =	simm.s32 $0xE980;
	s0 =	sand.u32 $0x1, s0;
	s1 =	sshll.u32 s1, $0x1  }
0x6: {  	s15 =	simm.s32 $0xF180;
	s16 =	simm.s32 $0xF980;
	s1 =	sor.u32 s0, s1  }
0x7: {  	s17 =	simm.s32 $0x10180;
	s18 =	simm.s32 $0x10980;
	s1 =	smul.u32 $0x140, s1  }
0x8: {  	s19 =	simm.s32 $0x11180;
	s20 =	simm.s32 $0x11980;
	s28 =	simm.s32 $0x15180  }
0x9: {  	s29 =	simm.s32 $0x15980;
	s30 =	simm.s32 $0x16180;
	s1 =	sshrl.u32 s1, $0x3  }
0xa: {  	[smem:$0x7FF] =	sst s3;
	s0 =	ssub.s32 $0x2, s0;
	s6 =	smul.u32 $0x300, s1  }
0xb: {  	s31 =	simm.s32 $0x16980;
	_ =	strace $0x80000047;
	s22 =	sshrl.u32 s0, $0x1  }
0xc: {  	s0 =	ssub.s32 s0, s22;
	s1 =	sadd.s32 s4, s1;
	s6 =	sadd.s32 s6, s5  }
0xd: {  	s22 =	simm.s32 $0x12980;
	[dreg:$0x4] =	wrdreg s1;
	s21 =	sadd.s32 $0x600, s6  }
0xe: {  	s4 =	sadd.s32 $0x100, s2;
	s23 =	sadd.s32 $0x1E00, s6;
	[dreg:$0x5] =	wrdreg s21  }
0xf: {  	s5 =	sadd.s32 $0x200, s2;
	s24 =	sadd.s32 $0x3600, s6;
	[dreg:$0x6] =	wrdreg s23  }
0x10: {  	s25 =	sadd.s32 $0x4E00, s6;
	s26 =	sadd.s32 $0x6600, s6;
	[dreg:$0x7] =	wrdreg s24  }
0x11: {  	v2 =	vlaneseq.u32;
	s6 =	smax.u32 s0, $0x1;
	s0 =	simm.s32 $0x1;
	[dreg:$0x8] =	wrdreg s25  }
0x12: {  	vm0 =	vmmov $0xffff;
	v1 =	vshrl.u32 v2, $0x3;
	[dreg:$0x9] =	wrdreg s26;
	s21 =	simm.s32 $0x12180;
	s23 =	simm.s32 $0x13180  }
0x13: {  	v0 =	vand.u32 $0x7, v2;
	v2 =	vor.u32 $0x8, v2;
	v1 =	vmul.u32 $0x8, v1;
	s24 =	simm.s32 $0x13980;
	s25 =	simm.s32 $0x14180;
	s26 =	simm.s32 $0x14980  }
.LBB2_1:
0x14: {  	s11 =	rddreg [dreg:$0x4];
	s1 =	simm.s32 $0x4  }
0x15: {  	[tilespmem:s3], [sflag:$0x4] =	stream.linear.gather [hbm4b:s11+s3], $0x140, $0x38;
	[tilespmem:$0x18180] =	vst v63  }
0x16: {  	_ =	swait.ge [sflag:s1], $0x140  }
0x17: {  	[sflag:s1] =	ssyncset.done $0x0  }
0x18: {  	[sflag:s1] =	ssyncadd.s32 $0xFFFFFEC0  }
0x19: {  	v3 =	vld [tilespmem:$0x0];
	_ =	sdelay $0x4  }
0x1a: {  	v4 =	vshrl.u32 v3, $0x3  }
0x1b: {  	v4 =	vmul.u32 $0x30, v4  }
0x1c: {  	v3 =	vand.u32 $0x7, v3  }
0x1d: {  	v3 =	vor.u32 v3, v4  }
0x1e: {  	v4 =	vperm.xlane v3, v0;
	_ =	sdelay $0x1  }
0x1f: {  	v4 =	vadd.s32 v1, v4;
	_ =	sdelay $0x3  }
0x20: {  	v3 =	vperm.xlane v3, v2  }
0x21: {  	[tilespmem:s10], [sflag:$0x1] =	stream.indirect_vreg.gather [hbm4b:s2+s3], $0x80, v4, vm0, $0xb8;
	[tilespmem:$0x18180] =	vst v63  }
0x22: {  	s1 =	simm.s32 $0x980;
	v3 =	vadd.s32 v1, v3  }
0x23: {  	[tilespmem:s1], [sflag:$0x1] =	stream.indirect_vreg.gather [hbm4b:s4+s3], $0x80, v4, vm0, $0xb8;
	[tilespmem:$0x18180] =	vst v63  }
0x24: {  	s8 =	simm.s32 $0x1180  }
0x25: {  	[tilespmem:s8], [sflag:$0x1] =	stream.indirect_vreg.gather [hbm4b:s5+s3], $0x80, v4, vm0, $0xb8;
	[tilespmem:$0x18180] =	vst v63  }
0x26: {  	s11 =	simm.s32 $0x1980  }
0x27: {  	[tilespmem:s11], [sflag:$0x1] =	stream.indirect_vreg.gather [hbm4b:s2+s3], $0x80, v3, vm0, $0xb8;
	[tilespmem:$0x18180] =	vst v63  }
0x28: {  	s8 =	simm.s32 $0x2180  }
0x29: {  	[tilespmem:s8], [sflag:$0x1] =	stream.indirect_vreg.gather [hbm4b:s4+s3], $0x80, v3, vm0, $0xb8;
	[tilespmem:$0x18180] =	vst v63  }
0x2a: {  	s11 =	simm.s32 $0x2980  }
0x2b: {  	[tilespmem:s11], [sflag:$0x1] =	stream.indirect_vreg.gather [hbm4b:s5+s3], $0x80, v3, vm0, $0xb8;
	[tilespmem:$0x18180] =	vst v63  }
0x2c: {  	v3 =	vld [tilespmem:$0x10];
	_ =	sdelay $0x4  }
0x2d: {  	v45 =	vshrl.u32 v3, $0x3  }
0x2e: {  	v4 =	vmul.u32 $0x30, v45  }
0x2f: {  	v3 =	vand.u32 $0x7, v3  }
0x30: {  	v3 =	vor.u32 v3, v4  }
0x31: {  	v4 =	vperm.xlane v3, v0;
	_ =	sdelay $0x1  }
0x32: {  	v4 =	vadd.s32 v1, v4;
	_ =	sdelay $0x3  }
0x33: {  	s8 =	simm.s32 $0x3180;
	v3 =	vperm.xlane v3, v2  }
0x34: {  	[tilespmem:s8], [sflag:$0x1] =	stream.indirect_vreg.gather [hbm4b:s2+s3], $0x80, v4, vm0, $0xb8;
	[tilespmem:$0x18180] =	vst v63  }
0x35: {  	s11 =	simm.s32 $0x3980;
	v3 =	vadd.s32 v1, v3  }
0x36: {  	[tilespmem:s11], [sflag:$0x1] =	stream.indirect_vreg.gather [hbm4b:s4+s3], $0x80, v4, vm0, $0xb8;
	[tilespmem:$0x18180] =	vst v63  }
0x37: {  	s8 =	simm.s32 $0x4180  }
0x38: {  	[tilespmem:s8], [sflag:$0x1] =	stream.indirect_vreg.gather [hbm4b:s5+s3], $0x80, v4, vm0, $0xb8;
	[tilespmem:$0x18180] =	vst v63  }
0x39: {  	s11 =	simm.s32 $0x4980  }
0x3a: {  	[tilespmem:s11], [sflag:$0x1] =	stream.indirect_vreg.gather [hbm4b:s2+s3], $0x80, v3, vm0, $0xb8;
	[tilespmem:$0x18180] =	vst v63  }
0x3b: {  	s8 =	simm.s32 $0x5180  }
0x3c: {  	[tilespmem:s8], [sflag:$0x1] =	stream.indirect_vreg.gather [hbm4b:s4+s3], $0x80, v3, vm0, $0xb8;
	[tilespmem:$0x18180] =	vst v63  }
0x3d: {  	s11 =	simm.s32 $0x5980  }
0x3e: {  	[tilespmem:s11], [sflag:$0x1] =	stream.indirect_vreg.gather [hbm4b:s5+s3], $0x80, v3, vm0, $0xb8;
	[tilespmem:$0x18180] =	vst v63  }
0x3f: {  	v3 =	vld [tilespmem:$0x20];
	_ =	sdelay $0x4  }
0x40: {  	v46 =	vshrl.u32 v3, $0x3  }
0x41: {  	v4 =	vmul.u32 $0x30, v46  }
0x42: {  	v3 =	vand.u32 $0x7, v3  }
0x43: {  	v3 =	vor.u32 v3, v4  }
0x44: {  	v4 =	vperm.xlane v3, v0;
	_ =	sdelay $0x1  }
0x45: {  	v4 =	vadd.s32 v1, v4;
	_ =	sdelay $0x3  }
0x46: {  	s8 =	simm.s32 $0x6180;
	v3 =	vperm.xlane v3, v2  }
0x47: {  	[tilespmem:s8], [sflag:$0x1] =	stream.indirect_vreg.gather [hbm4b:s2+s3], $0x80, v4, vm0, $0xb8;
	[tilespmem:$0x18180] =	vst v63  }
0x48: {  	s11 =	simm.s32 $0x6980;
	v3 =	vadd.s32 v1, v3  }
0x49: {  	[tilespmem:s11], [sflag:$0x1] =	stream.indirect_vreg.gather [hbm4b:s4+s3], $0x80, v4, vm0, $0xb8;
	[tilespmem:$0x18180] =	vst v63  }
0x4a: {  	s8 =	simm.s32 $0x7180  }
0x4b: {  	[tilespmem:s8], [sflag:$0x1] =	stream.indirect_vreg.gather [hbm4b:s5+s3], $0x80, v4, vm0, $0xb8;
	[tilespmem:$0x18180] =	vst v63  }
0x4c: {  	s11 =	simm.s32 $0x7980  }
0x4d: {  	[tilespmem:s11], [sflag:$0x1] =	stream.indirect_vreg.gather [hbm4b:s2+s3], $0x80, v3, vm0, $0xb8;
	[tilespmem:$0x18180] =	vst v63  }
0x4e: {  	s8 =	simm.s32 $0x8180  }
0x4f: {  	[tilespmem:s8], [sflag:$0x1] =	stream.indirect_vreg.gather [hbm4b:s4+s3], $0x80, v3, vm0, $0xb8;
	[tilespmem:$0x18180] =	vst v63  }
0x50: {  	s11 =	simm.s32 $0x8980  }
0x51: {  	[tilespmem:s11], [sflag:$0x1] =	stream.indirect_vreg.gather [hbm4b:s5+s3], $0x80, v3, vm0, $0xb8;
	[tilespmem:$0x18180] =	vst v63  }
0x52: {  	v3 =	vld [tilespmem:$0x30];
	_ =	sdelay $0x4  }
0x53: {  	v47 =	vshrl.u32 v3, $0x3  }
0x54: {  	v4 =	vmul.u32 $0x30, v47  }
0x55: {  	v3 =	vand.u32 $0x7, v3  }
0x56: {  	v3 =	vor.u32 v3, v4  }
0x57: {  	v4 =	vperm.xlane v3, v0;
	_ =	sdelay $0x1  }
0x58: {  	v4 =	vadd.s32 v1, v4;
	_ =	sdelay $0x3  }
0x59: {  	s8 =	simm.s32 $0x9180;
	v3 =	vperm.xlane v3, v2  }
0x5a: {  	[tilespmem:s8], [sflag:$0x1] =	stream.indirect_vreg.gather [hbm4b:s2+s3], $0x80, v4, vm0, $0xb8;
	[tilespmem:$0x18180] =	vst v63  }
0x5b: {  	s11 =	simm.s32 $0x9980;
	v3 =	vadd.s32 v1, v3  }
0x5c: {  	[tilespmem:s11], [sflag:$0x1] =	stream.indirect_vreg.gather [hbm4b:s4+s3], $0x80, v4, vm0, $0xb8;
	[tilespmem:$0x18180] =	vst v63  }
0x5d: {  	s8 =	simm.s32 $0xA180  }
0x5e: {  	[tilespmem:s8], [sflag:$0x1] =	stream.indirect_vreg.gather [hbm4b:s5+s3], $0x80, v4, vm0, $0xb8;
	[tilespmem:$0x18180] =	vst v63  }
0x5f: {  	s11 =	simm.s32 $0xA980  }
0x60: {  	[tilespmem:s11], [sflag:$0x1] =	stream.indirect_vreg.gather [hbm4b:s2+s3], $0x80, v3, vm0, $0xb8;
	[tilespmem:$0x18180] =	vst v63  }
0x61: {  	s8 =	simm.s32 $0xB180  }
0x62: {  	[tilespmem:s8], [sflag:$0x1] =	stream.indirect_vreg.gather [hbm4b:s4+s3], $0x80, v3, vm0, $0xb8;
	[tilespmem:$0x18180] =	vst v63  }
0x63: {  	s11 =	simm.s32 $0xB980  }
0x64: {  	[tilespmem:s11], [sflag:$0x1] =	stream.indirect_vreg.gather [hbm4b:s5+s3], $0x80, v3, vm0, $0xb8;
	[tilespmem:$0x18180] =	vst v63  }
0x65: {  	_ =	swait.ge [sflag:s0], $0xC000  }
0x66: {  	[sflag:s0] =	ssyncset.done $0x0  }
0x67: {  	s8 =	rddreg [dreg:$0x5];
	[sflag:s0] =	ssyncadd.s32 $0xFFFF4000  }
0x68: {  	[hbm4b:s8+s3] =	stream.linear.scatter [tilespmem:s10], [sflag:$0x2], $0xC000, $0x38;
	[tilespmem:$0x18180] =	vst v63  }
0x69: {  	v3 =	vld [tilespmem:$0x40];
	_ =	sdelay $0x4  }
0x6a: {  	v48 =	vshrl.u32 v3, $0x3  }
0x6b: {  	v4 =	vmul.u32 $0x30, v48  }
0x6c: {  	v3 =	vand.u32 $0x7, v3  }
0x6d: {  	v3 =	vor.u32 v3, v4  }
0x6e: {  	v4 =	vperm.xlane v3, v0;
	_ =	sdelay $0x1  }
0x6f: {  	v4 =	vadd.s32 v1, v4;
	_ =	sdelay $0x3  }
0x70: {  	s1 =	simm.s32 $0xC180;
	v3 =	vperm.xlane v3, v2  }
0x71: {  	[tilespmem:s1], [sflag:$0x1] =	stream.indirect_vreg.gather [hbm4b:s2+s3], $0x80, v4, vm0, $0xb8;
	[tilespmem:$0x18180] =	vst v63  }
0x72: {  	s8 =	simm.s32 $0xC980;
	v3 =	vadd.s32 v1, v3  }
0x73: {  	[tilespmem:s8], [sflag:$0x1] =	stream.indirect_vreg.gather [hbm4b:s4+s3], $0x80, v4, vm0, $0xb8;
	[tilespmem:$0x18180] =	vst v63  }
0x74: {  	s8 =	simm.s32 $0xD180  }
0x75: {  	[tilespmem:s8], [sflag:$0x1] =	stream.indirect_vreg.gather [hbm4b:s5+s3], $0x80, v4, vm0, $0xb8;
	[tilespmem:$0x18180] =	vst v63  }
0x76: {  	_ = 	snop  }
0x77: {  	[tilespmem:s12], [sflag:$0x1] =	stream.indirect_vreg.gather [hbm4b:s2+s3], $0x80, v3, vm0, $0xb8;
	[tilespmem:$0x18180] =	vst v63  }
0x78: {  	_ = 	snop  }
0x79: {  	[tilespmem:s13], [sflag:$0x1] =	stream.indirect_vreg.gather [hbm4b:s4+s3], $0x80, v3, vm0, $0xb8;
	[tilespmem:$0x18180] =	vst v63  }
0x7a: {  	_ = 	snop  }
0x7b: {  	[tilespmem:s14], [sflag:$0x1] =	stream.indirect_vreg.gather [hbm4b:s5+s3], $0x80, v3, vm0, $0xb8;
	[tilespmem:$0x18180] =	vst v63  }
0x7c: {  	v3 =	vld [tilespmem:$0x50];
	_ =	sdelay $0x4  }
0x7d: {  	v49 =	vshrl.u32 v3, $0x3  }
0x7e: {  	v4 =	vmul.u32 $0x30, v49  }
0x7f: {  	v3 =	vand.u32 $0x7, v3  }
0x80: {  	v3 =	vor.u32 v3, v4  }
0x81: {  	v4 =	vperm.xlane v3, v0;
	_ =	sdelay $0x1  }
0x82: {  	v4 =	vadd.s32 v1, v4;
	_ =	sdelay $0x3  }
0x83: {  	v3 =	vperm.xlane v3, v2  }
0x84: {  	[tilespmem:s15], [sflag:$0x1] =	stream.indirect_vreg.gather [hbm4b:s2+s3], $0x80, v4, vm0, $0xb8;
	[tilespmem:$0x18180] =	vst v63  }
0x85: {  	v3 =	vadd.s32 v1, v3  }
0x86: {  	[tilespmem:s16], [sflag:$0x1] =	stream.indirect_vreg.gather [hbm4b:s4+s3], $0x80, v4, vm0, $0xb8;
	[tilespmem:$0x18180] =	vst v63  }
0x87: {  	_ = 	snop  }
0x88: {  	[tilespmem:s17], [sflag:$0x1] =	stream.indirect_vreg.gather [hbm4b:s5+s3], $0x80, v4, vm0, $0xb8;
	[tilespmem:$0x18180] =	vst v63  }
0x89: {  	_ = 	snop  }
0x8a: {  	[tilespmem:s18], [sflag:$0x1] =	stream.indirect_vreg.gather [hbm4b:s2+s3], $0x80, v3, vm0, $0xb8;
	[tilespmem:$0x18180] =	vst v63  }
0x8b: {  	_ = 	snop  }
0x8c: {  	[tilespmem:s19], [sflag:$0x1] =	stream.indirect_vreg.gather [hbm4b:s4+s3], $0x80, v3, vm0, $0xb8;
	[tilespmem:$0x18180] =	vst v63  }
0x8d: {  	_ = 	snop  }
0x8e: {  	[tilespmem:s20], [sflag:$0x1] =	stream.indirect_vreg.gather [hbm4b:s5+s3], $0x80, v3, vm0, $0xb8;
	[tilespmem:$0x18180] =	vst v63  }
0x8f: {  	v3 =	vld [tilespmem:$0x60];
	_ =	sdelay $0x4  }
0x90: {  	v50 =	vshrl.u32 v3, $0x3  }
0x91: {  	v4 =	vmul.u32 $0x30, v50  }
0x92: {  	v3 =	vand.u32 $0x7, v3  }
0x93: {  	v3 =	vor.u32 v3, v4  }
0x94: {  	v4 =	vperm.xlane v3, v0;
	_ =	sdelay $0x1  }
0x95: {  	v4 =	vadd.s32 v1, v4;
	_ =	sdelay $0x3  }
0x96: {  	v3 =	vperm.xlane v3, v2  }
0x97: {  	[tilespmem:s21], [sflag:$0x1] =	stream.indirect_vreg.gather [hbm4b:s2+s3], $0x80, v4, vm0, $0xb8;
	[tilespmem:$0x18180] =	vst v63  }
0x98: {  	v3 =	vadd.s32 v1, v3  }
0x99: {  	[tilespmem:s22], [sflag:$0x1] =	stream.indirect_vreg.gather [hbm4b:s4+s3], $0x80, v4, vm0, $0xb8;
	[tilespmem:$0x18180] =	vst v63  }
0x9a: {  	_ = 	snop  }
0x9b: {  	[tilespmem:s23], [sflag:$0x1] =	stream.indirect_vreg.gather [hbm4b:s5+s3], $0x80, v4, vm0, $0xb8;
	[tilespmem:$0x18180] =	vst v63  }
0x9c: {  	_ = 	snop  }
0x9d: {  	[tilespmem:s24], [sflag:$0x1] =	stream.indirect_vreg.gather [hbm4b:s2+s3], $0x80, v3, vm0, $0xb8;
	[tilespmem:$0x18180] =	vst v63  }
0x9e: {  	_ = 	snop  }
0x9f: {  	[tilespmem:s25], [sflag:$0x1] =	stream.indirect_vreg.gather [hbm4b:s4+s3], $0x80, v3, vm0, $0xb8;
	[tilespmem:$0x18180] =	vst v63  }
0xa0: {  	_ = 	snop  }
0xa1: {  	[tilespmem:s26], [sflag:$0x1] =	stream.indirect_vreg.gather [hbm4b:s5+s3], $0x80, v3, vm0, $0xb8;
	[tilespmem:$0x18180] =	vst v63  }
0xa2: {  	v3 =	vld [tilespmem:$0x70];
	_ =	sdelay $0x4  }
0xa3: {  	v51 =	vshrl.u32 v3, $0x3  }
0xa4: {  	v4 =	vmul.u32 $0x30, v51  }
0xa5: {  	v3 =	vand.u32 $0x7, v3  }
0xa6: {  	v3 =	vor.u32 v3, v4  }
0xa7: {  	v4 =	vperm.xlane v3, v0;
	_ =	sdelay $0x1  }
0xa8: {  	v4 =	vadd.s32 v1, v4;
	_ =	sdelay $0x3  }
0xa9: {  	v3 =	vperm.xlane v3, v2  }
0xaa: {  	[tilespmem:s28], [sflag:$0x1] =	stream.indirect_vreg.gather [hbm4b:s2+s3], $0x80, v4, vm0, $0xb8;
	[tilespmem:$0x18180] =	vst v63  }
0xab: {  	v3 =	vadd.s32 v1, v3  }
0xac: {  	[tilespmem:s29], [sflag:$0x1] =	stream.indirect_vreg.gather [hbm4b:s4+s3], $0x80, v4, vm0, $0xb8;
	[tilespmem:$0x18180] =	vst v63  }
0xad: {  	_ = 	snop  }
0xae: {  	[tilespmem:s30], [sflag:$0x1] =	stream.indirect_vreg.gather [hbm4b:s5+s3], $0x80, v4, vm0, $0xb8;
	[tilespmem:$0x18180] =	vst v63  }
0xaf: {  	_ = 	snop  }
0xb0: {  	[tilespmem:s31], [sflag:$0x1] =	stream.indirect_vreg.gather [hbm4b:s2+s3], $0x80, v3, vm0, $0xb8;
	[tilespmem:$0x18180] =	vst v63  }
0xb1: {  	s11 =	simm.s32 $0x17180  }
0xb2: {  	[tilespmem:s11], [sflag:$0x1] =	stream.indirect_vreg.gather [hbm4b:s4+s3], $0x80, v3, vm0, $0xb8;
	[tilespmem:$0x18180] =	vst v63  }
0xb3: {  	s11 =	simm.s32 $0x17980  }
0xb4: {  	[tilespmem:s11], [sflag:$0x1] =	stream.indirect_vreg.gather [hbm4b:s5+s3], $0x80, v3, vm0, $0xb8;
	[tilespmem:$0x18180] =	vst v63  }
0xb5: {  	_ =	swait.ge [sflag:s0], $0xC000  }
0xb6: {  	[sflag:s0] =	ssyncset.done $0x0  }
0xb7: {  	s11 =	rddreg [dreg:$0x6];
	[sflag:s0] =	ssyncadd.s32 $0xFFFF4000  }
0xb8: {  	[hbm4b:s11+s3] =	stream.linear.scatter [tilespmem:s1], [sflag:$0x3], $0xC000, $0x38;
	[tilespmem:$0x18180] =	vst v63  }
0xb9: {  	_ =	swait.ge [sflag:s7], $0xC000  }
0xba: {  	[sflag:s7] =	ssyncset.done $0x0  }
0xbb: {  	[sflag:s7] =	ssyncadd.s32 $0xFFFF4000  }
0xbc: {  	v3 =	vld [tilespmem:$0x80];
	_ =	sdelay $0x4  }
0xbd: {  	v52 =	vshrl.u32 v3, $0x3  }
0xbe: {  	v4 =	vmul.u32 $0x30, v52  }
0xbf: {  	v3 =	vand.u32 $0x7, v3  }
0xc0: {  	v3 =	vor.u32 v3, v4  }
0xc1: {  	v4 =	vperm.xlane v3, v0;
	_ =	sdelay $0x1  }
0xc2: {  	v4 =	vadd.s32 v1, v4;
	_ =	sdelay $0x3  }
0xc3: {  	v3 =	vperm.xlane v3, v2  }
0xc4: {  	[tilespmem:s10], [sflag:$0x1] =	stream.indirect_vreg.gather [hbm4b:s2+s3], $0x80, v4, vm0, $0xb8;
	[tilespmem:$0x18180] =	vst v63  }
0xc5: {  	s9 =	simm.s32 $0x980;
	v3 =	vadd.s32 v1, v3  }
0xc6: {  	[tilespmem:s9], [sflag:$0x1] =	stream.indirect_vreg.gather [hbm4b:s4+s3], $0x80, v4, vm0, $0xb8;
	[tilespmem:$0x18180] =	vst v63  }
0xc7: {  	s11 =	simm.s32 $0x1180  }
0xc8: {  	[tilespmem:s11], [sflag:$0x1] =	stream.indirect_vreg.gather [hbm4b:s5+s3], $0x80, v4, vm0, $0xb8;
	[tilespmem:$0x18180] =	vst v63  }
0xc9: {  	s11 =	simm.s32 $0x1980  }
0xca: {  	[tilespmem:s11], [sflag:$0x1] =	stream.indirect_vreg.gather [hbm4b:s2+s3], $0x80, v3, vm0, $0xb8;
	[tilespmem:$0x18180] =	vst v63  }
0xcb: {  	s11 =	simm.s32 $0x2180  }
0xcc: {  	[tilespmem:s11], [sflag:$0x1] =	stream.indirect_vreg.gather [hbm4b:s4+s3], $0x80, v3, vm0, $0xb8;
	[tilespmem:$0x18180] =	vst v63  }
0xcd: {  	s11 =	simm.s32 $0x2980  }
0xce: {  	[tilespmem:s11], [sflag:$0x1] =	stream.indirect_vreg.gather [hbm4b:s5+s3], $0x80, v3, vm0, $0xb8;
	[tilespmem:$0x18180] =	vst v63  }
0xcf: {  	v3 =	vld [tilespmem:$0x90];
	_ =	sdelay $0x4  }
0xd0: {  	v53 =	vshrl.u32 v3, $0x3  }
0xd1: {  	v4 =	vmul.u32 $0x30, v53  }
0xd2: {  	v3 =	vand.u32 $0x7, v3  }
0xd3: {  	v3 =	vor.u32 v3, v4  }
0xd4: {  	v4 =	vperm.xlane v3, v0;
	_ =	sdelay $0x1  }
0xd5: {  	v4 =	vadd.s32 v1, v4;
	_ =	sdelay $0x3  }
0xd6: {  	s11 =	simm.s32 $0x3180;
	v3 =	vperm.xlane v3, v2  }
0xd7: {  	[tilespmem:s11], [sflag:$0x1] =	stream.indirect_vreg.gather [hbm4b:s2+s3], $0x80, v4, vm0, $0xb8;
	[tilespmem:$0x18180] =	vst v63  }
0xd8: {  	v3 =	vadd.s32 v1, v3;
	s11 =	simm.s32 $0x3980  }
0xd9: {  	[tilespmem:s11], [sflag:$0x1] =	stream.indirect_vreg.gather [hbm4b:s4+s3], $0x80, v4, vm0, $0xb8;
	[tilespmem:$0x18180] =	vst v63  }
0xda: {  	s11 =	simm.s32 $0x4180  }
0xdb: {  	[tilespmem:s11], [sflag:$0x1] =	stream.indirect_vreg.gather [hbm4b:s5+s3], $0x80, v4, vm0, $0xb8;
	[tilespmem:$0x18180] =	vst v63  }
0xdc: {  	s11 =	simm.s32 $0x4980  }
0xdd: {  	[tilespmem:s11], [sflag:$0x1] =	stream.indirect_vreg.gather [hbm4b:s2+s3], $0x80, v3, vm0, $0xb8;
	[tilespmem:$0x18180] =	vst v63  }
0xde: {  	s11 =	simm.s32 $0x5180  }
0xdf: {  	[tilespmem:s11], [sflag:$0x1] =	stream.indirect_vreg.gather [hbm4b:s4+s3], $0x80, v3, vm0, $0xb8;
	[tilespmem:$0x18180] =	vst v63  }
0xe0: {  	s11 =	simm.s32 $0x5980  }
0xe1: {  	[tilespmem:s11], [sflag:$0x1] =	stream.indirect_vreg.gather [hbm4b:s5+s3], $0x80, v3, vm0, $0xb8;
	[tilespmem:$0x18180] =	vst v63  }
0xe2: {  	v3 =	vld [tilespmem:$0xA0];
	_ =	sdelay $0x4  }
0xe3: {  	v54 =	vshrl.u32 v3, $0x3  }
0xe4: {  	v4 =	vmul.u32 $0x30, v54  }
0xe5: {  	v3 =	vand.u32 $0x7, v3  }
0xe6: {  	v3 =	vor.u32 v3, v4  }
0xe7: {  	v4 =	vperm.xlane v3, v0;
	_ =	sdelay $0x1  }
0xe8: {  	v4 =	vadd.s32 v1, v4;
	_ =	sdelay $0x3  }
0xe9: {  	s11 =	simm.s32 $0x6180;
	v3 =	vperm.xlane v3, v2  }
0xea: {  	[tilespmem:s11], [sflag:$0x1] =	stream.indirect_vreg.gather [hbm4b:s2+s3], $0x80, v4, vm0, $0xb8;
	[tilespmem:$0x18180] =	vst v63  }
0xeb: {  	v3 =	vadd.s32 v1, v3;
	s11 =	simm.s32 $0x6980  }
0xec: {  	[tilespmem:s11], [sflag:$0x1] =	stream.indirect_vreg.gather [hbm4b:s4+s3], $0x80, v4, vm0, $0xb8;
	[tilespmem:$0x18180] =	vst v63  }
0xed: {  	s11 =	simm.s32 $0x7180  }
0xee: {  	[tilespmem:s11], [sflag:$0x1] =	stream.indirect_vreg.gather [hbm4b:s5+s3], $0x80, v4, vm0, $0xb8;
	[tilespmem:$0x18180] =	vst v63  }
0xef: {  	s11 =	simm.s32 $0x7980  }
0xf0: {  	[tilespmem:s11], [sflag:$0x1] =	stream.indirect_vreg.gather [hbm4b:s2+s3], $0x80, v3, vm0, $0xb8;
	[tilespmem:$0x18180] =	vst v63  }
0xf1: {  	s11 =	simm.s32 $0x8180  }
0xf2: {  	[tilespmem:s11], [sflag:$0x1] =	stream.indirect_vreg.gather [hbm4b:s4+s3], $0x80, v3, vm0, $0xb8;
	[tilespmem:$0x18180] =	vst v63  }
0xf3: {  	s11 =	simm.s32 $0x8980  }
0xf4: {  	[tilespmem:s11], [sflag:$0x1] =	stream.indirect_vreg.gather [hbm4b:s5+s3], $0x80, v3, vm0, $0xb8;
	[tilespmem:$0x18180] =	vst v63  }
0xf5: {  	v3 =	vld [tilespmem:$0xB0];
	_ =	sdelay $0x4  }
0xf6: {  	v55 =	vshrl.u32 v3, $0x3  }
0xf7: {  	v4 =	vmul.u32 $0x30, v55  }
0xf8: {  	v3 =	vand.u32 $0x7, v3  }
0xf9: {  	v3 =	vor.u32 v3, v4  }
0xfa: {  	v4 =	vperm.xlane v3, v0;
	_ =	sdelay $0x1  }
0xfb: {  	v4 =	vadd.s32 v1, v4;
	_ =	sdelay $0x3  }
0xfc: {  	s11 =	simm.s32 $0x9180;
	v3 =	vperm.xlane v3, v2  }
0xfd: {  	[tilespmem:s11], [sflag:$0x1] =	stream.indirect_vreg.gather [hbm4b:s2+s3], $0x80, v4, vm0, $0xb8;
	[tilespmem:$0x18180] =	vst v63  }
0xfe: {  	v3 =	vadd.s32 v1, v3;
	s11 =	simm.s32 $0x9980  }
0xff: {  	[tilespmem:s11], [sflag:$0x1] =	stream.indirect_vreg.gather [hbm4b:s4+s3], $0x80, v4, vm0, $0xb8;
	[tilespmem:$0x18180] =	vst v63  }
0x100: {  	s11 =	simm.s32 $0xA180  }
0x101: {  	[tilespmem:s11], [sflag:$0x1] =	stream.indirect_vreg.gather [hbm4b:s5+s3], $0x80, v4, vm0, $0xb8;
	[tilespmem:$0x18180] =	vst v63  }
0x102: {  	s11 =	simm.s32 $0xA980  }
0x103: {  	[tilespmem:s11], [sflag:$0x1] =	stream.indirect_vreg.gather [hbm4b:s2+s3], $0x80, v3, vm0, $0xb8;
	[tilespmem:$0x18180] =	vst v63  }
0x104: {  	s11 =	simm.s32 $0xB180  }
0x105: {  	[tilespmem:s11], [sflag:$0x1] =	stream.indirect_vreg.gather [hbm4b:s4+s3], $0x80, v3, vm0, $0xb8;
	[tilespmem:$0x18180] =	vst v63  }
0x106: {  	s11 =	simm.s32 $0xB980  }
0x107: {  	[tilespmem:s11], [sflag:$0x1] =	stream.indirect_vreg.gather [hbm4b:s5+s3], $0x80, v3, vm0, $0xb8;
	[tilespmem:$0x18180] =	vst v63  }
0x108: {  	_ =	swait.ge [sflag:s0], $0xC000  }
0x109: {  	[sflag:s0] =	ssyncset.done $0x0  }
0x10a: {  	s9 =	rddreg [dreg:$0x7];
	[sflag:s0] =	ssyncadd.s32 $0xFFFF4000  }
0x10b: {  	[hbm4b:s9+s3] =	stream.linear.scatter [tilespmem:s10], [sflag:$0x2], $0xC000, $0x38;
	[tilespmem:$0x18180] =	vst v63  }
0x10c: {  	s9 =	simm.s32 $0x3  }
0x10d: {  	_ =	swait.ge [sflag:s9], $0xC000  }
0x10e: {  	[sflag:s9] =	ssyncset.done $0x0  }
0x10f: {  	[sflag:s9] =	ssyncadd.s32 $0xFFFF4000  }
0x110: {  	v3 =	vld [tilespmem:$0xC0];
	_ =	sdelay $0x4  }
0x111: {  	v56 =	vshrl.u32 v3, $0x3  }
0x112: {  	v4 =	vmul.u32 $0x30, v56  }
0x113: {  	v3 =	vand.u32 $0x7, v3  }
0x114: {  	v3 =	vor.u32 v3, v4  }
0x115: {  	v4 =	vperm.xlane v3, v0;
	_ =	sdelay $0x1  }
0x116: {  	v4 =	vadd.s32 v1, v4;
	_ =	sdelay $0x3  }
0x117: {  	v3 =	vperm.xlane v3, v2  }
0x118: {  	[tilespmem:s1], [sflag:$0x1] =	stream.indirect_vreg.gather [hbm4b:s2+s3], $0x80, v4, vm0, $0xb8;
	[tilespmem:$0x18180] =	vst v63  }
0x119: {  	s11 =	simm.s32 $0xC980;
	v3 =	vadd.s32 v1, v3  }
0x11a: {  	[tilespmem:s11], [sflag:$0x1] =	stream.indirect_vreg.gather [hbm4b:s4+s3], $0x80, v4, vm0, $0xb8;
	[tilespmem:$0x18180] =	vst v63  }
0x11b: {  	_ = 	snop  }
0x11c: {  	[tilespmem:s8], [sflag:$0x1] =	stream.indirect_vreg.gather [hbm4b:s5+s3], $0x80, v4, vm0, $0xb8;
	[tilespmem:$0x18180] =	vst v63  }
0x11d: {  	_ = 	snop  }
0x11e: {  	[tilespmem:s12], [sflag:$0x1] =	stream.indirect_vreg.gather [hbm4b:s2+s3], $0x80, v3, vm0, $0xb8;
	[tilespmem:$0x18180] =	vst v63  }
0x11f: {  	_ = 	snop  }
0x120: {  	[tilespmem:s13], [sflag:$0x1] =	stream.indirect_vreg.gather [hbm4b:s4+s3], $0x80, v3, vm0, $0xb8;
	[tilespmem:$0x18180] =	vst v63  }
0x121: {  	_ = 	snop  }
0x122: {  	[tilespmem:s14], [sflag:$0x1] =	stream.indirect_vreg.gather [hbm4b:s5+s3], $0x80, v3, vm0, $0xb8;
	[tilespmem:$0x18180] =	vst v63  }
0x123: {  	v3 =	vld [tilespmem:$0xD0];
	_ =	sdelay $0x4  }
0x124: {  	v57 =	vshrl.u32 v3, $0x3  }
0x125: {  	v4 =	vmul.u32 $0x30, v57  }
0x126: {  	v3 =	vand.u32 $0x7, v3  }
0x127: {  	v3 =	vor.u32 v3, v4  }
0x128: {  	v4 =	vperm.xlane v3, v0;
	_ =	sdelay $0x1  }
0x129: {  	v4 =	vadd.s32 v1, v4;
	_ =	sdelay $0x3  }
0x12a: {  	v3 =	vperm.xlane v3, v2  }
0x12b: {  	[tilespmem:s15], [sflag:$0x1] =	stream.indirect_vreg.gather [hbm4b:s2+s3], $0x80, v4, vm0, $0xb8;
	[tilespmem:$0x18180] =	vst v63  }
0x12c: {  	v3 =	vadd.s32 v1, v3  }
0x12d: {  	[tilespmem:s16], [sflag:$0x1] =	stream.indirect_vreg.gather [hbm4b:s4+s3], $0x80, v4, vm0, $0xb8;
	[tilespmem:$0x18180] =	vst v63  }
0x12e: {  	_ = 	snop  }
0x12f: {  	[tilespmem:s17], [sflag:$0x1] =	stream.indirect_vreg.gather [hbm4b:s5+s3], $0x80, v4, vm0, $0xb8;
	[tilespmem:$0x18180] =	vst v63  }
0x130: {  	_ = 	snop  }
0x131: {  	[tilespmem:s18], [sflag:$0x1] =	stream.indirect_vreg.gather [hbm4b:s2+s3], $0x80, v3, vm0, $0xb8;
	[tilespmem:$0x18180] =	vst v63  }
0x132: {  	_ = 	snop  }
0x133: {  	[tilespmem:s19], [sflag:$0x1] =	stream.indirect_vreg.gather [hbm4b:s4+s3], $0x80, v3, vm0, $0xb8;
	[tilespmem:$0x18180] =	vst v63  }
0x134: {  	_ = 	snop  }
0x135: {  	[tilespmem:s20], [sflag:$0x1] =	stream.indirect_vreg.gather [hbm4b:s5+s3], $0x80, v3, vm0, $0xb8;
	[tilespmem:$0x18180] =	vst v63  }
0x136: {  	v3 =	vld [tilespmem:$0xE0];
	_ =	sdelay $0x4  }
0x137: {  	v58 =	vshrl.u32 v3, $0x3  }
0x138: {  	v4 =	vmul.u32 $0x30, v58  }
0x139: {  	v3 =	vand.u32 $0x7, v3  }
0x13a: {  	v3 =	vor.u32 v3, v4  }
0x13b: {  	v4 =	vperm.xlane v3, v0;
	_ =	sdelay $0x1  }
0x13c: {  	v4 =	vadd.s32 v1, v4;
	_ =	sdelay $0x3  }
0x13d: {  	v3 =	vperm.xlane v3, v2  }
0x13e: {  	[tilespmem:s21], [sflag:$0x1] =	stream.indirect_vreg.gather [hbm4b:s2+s3], $0x80, v4, vm0, $0xb8;
	[tilespmem:$0x18180] =	vst v63  }
0x13f: {  	v3 =	vadd.s32 v1, v3  }
0x140: {  	[tilespmem:s22], [sflag:$0x1] =	stream.indirect_vreg.gather [hbm4b:s4+s3], $0x80, v4, vm0, $0xb8;
	[tilespmem:$0x18180] =	vst v63  }
0x141: {  	_ = 	snop  }
0x142: {  	[tilespmem:s23], [sflag:$0x1] =	stream.indirect_vreg.gather [hbm4b:s5+s3], $0x80, v4, vm0, $0xb8;
	[tilespmem:$0x18180] =	vst v63  }
0x143: {  	_ = 	snop  }
0x144: {  	[tilespmem:s24], [sflag:$0x1] =	stream.indirect_vreg.gather [hbm4b:s2+s3], $0x80, v3, vm0, $0xb8;
	[tilespmem:$0x18180] =	vst v63  }
0x145: {  	_ = 	snop  }
0x146: {  	[tilespmem:s25], [sflag:$0x1] =	stream.indirect_vreg.gather [hbm4b:s4+s3], $0x80, v3, vm0, $0xb8;
	[tilespmem:$0x18180] =	vst v63  }
0x147: {  	_ = 	snop  }
0x148: {  	[tilespmem:s26], [sflag:$0x1] =	stream.indirect_vreg.gather [hbm4b:s5+s3], $0x80, v3, vm0, $0xb8;
	[tilespmem:$0x18180] =	vst v63  }
0x149: {  	v3 =	vld [tilespmem:$0xF0];
	_ =	sdelay $0x4  }
0x14a: {  	v59 =	vshrl.u32 v3, $0x3  }
0x14b: {  	v4 =	vmul.u32 $0x30, v59  }
0x14c: {  	v3 =	vand.u32 $0x7, v3  }
0x14d: {  	v3 =	vor.u32 v3, v4  }
0x14e: {  	v4 =	vperm.xlane v3, v0;
	_ =	sdelay $0x1  }
0x14f: {  	v4 =	vadd.s32 v1, v4;
	_ =	sdelay $0x3  }
0x150: {  	v3 =	vperm.xlane v3, v2  }
0x151: {  	[tilespmem:s28], [sflag:$0x1] =	stream.indirect_vreg.gather [hbm4b:s2+s3], $0x80, v4, vm0, $0xb8;
	[tilespmem:$0x18180] =	vst v63  }
0x152: {  	v3 =	vadd.s32 v1, v3  }
0x153: {  	[tilespmem:s29], [sflag:$0x1] =	stream.indirect_vreg.gather [hbm4b:s4+s3], $0x80, v4, vm0, $0xb8;
	[tilespmem:$0x18180] =	vst v63  }
0x154: {  	_ = 	snop  }
0x155: {  	[tilespmem:s30], [sflag:$0x1] =	stream.indirect_vreg.gather [hbm4b:s5+s3], $0x80, v4, vm0, $0xb8;
	[tilespmem:$0x18180] =	vst v63  }
0x156: {  	_ = 	snop  }
0x157: {  	[tilespmem:s31], [sflag:$0x1] =	stream.indirect_vreg.gather [hbm4b:s2+s3], $0x80, v3, vm0, $0xb8;
	[tilespmem:$0x18180] =	vst v63  }
0x158: {  	s11 =	simm.s32 $0x17180  }
0x159: {  	[tilespmem:s11], [sflag:$0x1] =	stream.indirect_vreg.gather [hbm4b:s4+s3], $0x80, v3, vm0, $0xb8;
	[tilespmem:$0x18180] =	vst v63  }
0x15a: {  	s11 =	simm.s32 $0x17980  }
0x15b: {  	[tilespmem:s11], [sflag:$0x1] =	stream.indirect_vreg.gather [hbm4b:s5+s3], $0x80, v3, vm0, $0xb8;
	[tilespmem:$0x18180] =	vst v63  }
0x15c: {  	_ =	swait.ge [sflag:s0], $0xC000  }
0x15d: {  	[sflag:s0] =	ssyncset.done $0x0  }
0x15e: {  	s8 =	rddreg [dreg:$0x8];
	[sflag:s0] =	ssyncadd.s32 $0xFFFF4000  }
0x15f: {  	[hbm4b:s8+s3] =	stream.linear.scatter [tilespmem:s1], [sflag:$0x3], $0xC000, $0x38;
	[tilespmem:$0x18180] =	vst v63  }
0x160: {  	_ =	swait.ge [sflag:s7], $0xC000  }
0x161: {  	[sflag:s7] =	ssyncset.done $0x0  }
0x162: {  	[sflag:s7] =	ssyncadd.s32 $0xFFFF4000  }
0x163: {  	v3 =	vld [tilespmem:$0x100];
	_ =	sdelay $0x4  }
0x164: {  	v60 =	vshrl.u32 v3, $0x3  }
0x165: {  	v4 =	vmul.u32 $0x30, v60  }
0x166: {  	v3 =	vand.u32 $0x7, v3  }
0x167: {  	v3 =	vor.u32 v3, v4  }
0x168: {  	v4 =	vperm.xlane v3, v0;
	_ =	sdelay $0x1  }
0x169: {  	v4 =	vadd.s32 v1, v4;
	_ =	sdelay $0x3  }
0x16a: {  	v3 =	vperm.xlane v3, v2  }
0x16b: {  	[tilespmem:s10], [sflag:$0x1] =	stream.indirect_vreg.gather [hbm4b:s2+s3], $0x80, v4, vm0, $0xb8;
	[tilespmem:$0x18180] =	vst v63  }
0x16c: {  	s11 =	simm.s32 $0x980;
	v3 =	vadd.s32 v1, v3  }
0x16d: {  	[tilespmem:s11], [sflag:$0x1] =	stream.indirect_vreg.gather [hbm4b:s4+s3], $0x80, v4, vm0, $0xb8;
	[tilespmem:$0x18180] =	vst v63  }
0x16e: {  	s8 =	simm.s32 $0x1180  }
0x16f: {  	[tilespmem:s8], [sflag:$0x1] =	stream.indirect_vreg.gather [hbm4b:s5+s3], $0x80, v4, vm0, $0xb8;
	[tilespmem:$0x18180] =	vst v63  }
0x170: {  	s11 =	simm.s32 $0x1980  }
0x171: {  	[tilespmem:s11], [sflag:$0x1] =	stream.indirect_vreg.gather [hbm4b:s2+s3], $0x80, v3, vm0, $0xb8;
	[tilespmem:$0x18180] =	vst v63  }
0x172: {  	s8 =	simm.s32 $0x2180  }
0x173: {  	[tilespmem:s8], [sflag:$0x1] =	stream.indirect_vreg.gather [hbm4b:s4+s3], $0x80, v3, vm0, $0xb8;
	[tilespmem:$0x18180] =	vst v63  }
0x174: {  	s11 =	simm.s32 $0x2980  }
0x175: {  	[tilespmem:s11], [sflag:$0x1] =	stream.indirect_vreg.gather [hbm4b:s5+s3], $0x80, v3, vm0, $0xb8;
	[tilespmem:$0x18180] =	vst v63  }
0x176: {  	v3 =	vld [tilespmem:$0x110];
	_ =	sdelay $0x4  }
0x177: {  	v61 =	vshrl.u32 v3, $0x3  }
0x178: {  	v4 =	vmul.u32 $0x30, v61  }
0x179: {  	v3 =	vand.u32 $0x7, v3  }
0x17a: {  	v3 =	vor.u32 v3, v4  }
0x17b: {  	v4 =	vperm.xlane v3, v0;
	_ =	sdelay $0x1  }
0x17c: {  	v4 =	vadd.s32 v1, v4;
	_ =	sdelay $0x3  }
0x17d: {  	s8 =	simm.s32 $0x3180;
	v3 =	vperm.xlane v3, v2  }
0x17e: {  	[tilespmem:s8], [sflag:$0x1] =	stream.indirect_vreg.gather [hbm4b:s2+s3], $0x80, v4, vm0, $0xb8;
	[tilespmem:$0x18180] =	vst v63  }
0x17f: {  	s11 =	simm.s32 $0x3980;
	v3 =	vadd.s32 v1, v3  }
0x180: {  	[tilespmem:s11], [sflag:$0x1] =	stream.indirect_vreg.gather [hbm4b:s4+s3], $0x80, v4, vm0, $0xb8;
	[tilespmem:$0x18180] =	vst v63  }
0x181: {  	s8 =	simm.s32 $0x4180  }
0x182: {  	[tilespmem:s8], [sflag:$0x1] =	stream.indirect_vreg.gather [hbm4b:s5+s3], $0x80, v4, vm0, $0xb8;
	[tilespmem:$0x18180] =	vst v63  }
0x183: {  	s11 =	simm.s32 $0x4980  }
0x184: {  	[tilespmem:s11], [sflag:$0x1] =	stream.indirect_vreg.gather [hbm4b:s2+s3], $0x80, v3, vm0, $0xb8;
	[tilespmem:$0x18180] =	vst v63  }
0x185: {  	s8 =	simm.s32 $0x5180  }
0x186: {  	[tilespmem:s8], [sflag:$0x1] =	stream.indirect_vreg.gather [hbm4b:s4+s3], $0x80, v3, vm0, $0xb8;
	[tilespmem:$0x18180] =	vst v63  }
0x187: {  	s11 =	simm.s32 $0x5980  }
0x188: {  	[tilespmem:s11], [sflag:$0x1] =	stream.indirect_vreg.gather [hbm4b:s5+s3], $0x80, v3, vm0, $0xb8;
	[tilespmem:$0x18180] =	vst v63  }
0x189: {  	v3 =	vld [tilespmem:$0x120];
	_ =	sdelay $0x4  }
0x18a: {  	v62 =	vshrl.u32 v3, $0x3  }
0x18b: {  	v4 =	vmul.u32 $0x30, v62  }
0x18c: {  	v3 =	vand.u32 $0x7, v3  }
0x18d: {  	v3 =	vor.u32 v3, v4  }
0x18e: {  	v4 =	vperm.xlane v3, v0;
	_ =	sdelay $0x1  }
0x18f: {  	v4 =	vadd.s32 v1, v4;
	_ =	sdelay $0x3  }
0x190: {  	s8 =	simm.s32 $0x6180;
	v3 =	vperm.xlane v3, v2  }
0x191: {  	[tilespmem:s8], [sflag:$0x1] =	stream.indirect_vreg.gather [hbm4b:s2+s3], $0x80, v4, vm0, $0xb8;
	[tilespmem:$0x18180] =	vst v63  }
0x192: {  	s11 =	simm.s32 $0x6980;
	v3 =	vadd.s32 v1, v3  }
0x193: {  	[tilespmem:s11], [sflag:$0x1] =	stream.indirect_vreg.gather [hbm4b:s4+s3], $0x80, v4, vm0, $0xb8;
	[tilespmem:$0x18180] =	vst v63  }
0x194: {  	s8 =	simm.s32 $0x7180  }
0x195: {  	[tilespmem:s8], [sflag:$0x1] =	stream.indirect_vreg.gather [hbm4b:s5+s3], $0x80, v4, vm0, $0xb8;
	[tilespmem:$0x18180] =	vst v63  }
0x196: {  	s11 =	simm.s32 $0x7980  }
0x197: {  	[tilespmem:s11], [sflag:$0x1] =	stream.indirect_vreg.gather [hbm4b:s2+s3], $0x80, v3, vm0, $0xb8;
	[tilespmem:$0x18180] =	vst v63  }
0x198: {  	s8 =	simm.s32 $0x8180  }
0x199: {  	[tilespmem:s8], [sflag:$0x1] =	stream.indirect_vreg.gather [hbm4b:s4+s3], $0x80, v3, vm0, $0xb8;
	[tilespmem:$0x18180] =	vst v63  }
0x19a: {  	s11 =	simm.s32 $0x8980  }
0x19b: {  	[tilespmem:s11], [sflag:$0x1] =	stream.indirect_vreg.gather [hbm4b:s5+s3], $0x80, v3, vm0, $0xb8;
	[tilespmem:$0x18180] =	vst v63  }
0x19c: {  	v3 =	vld [tilespmem:$0x130];
	_ =	sdelay $0x4  }
0x19d: {  	v63 =	vshrl.u32 v3, $0x3  }
0x19e: {  	v4 =	vmul.u32 $0x30, v63  }
0x19f: {  	v3 =	vand.u32 $0x7, v3  }
0x1a0: {  	v3 =	vor.u32 v3, v4  }
0x1a1: {  	v4 =	vperm.xlane v3, v0;
	_ =	sdelay $0x1  }
0x1a2: {  	v4 =	vadd.s32 v1, v4;
	_ =	sdelay $0x3  }
0x1a3: {  	s8 =	simm.s32 $0x9180;
	v3 =	vperm.xlane v3, v2  }
0x1a4: {  	[tilespmem:s8], [sflag:$0x1] =	stream.indirect_vreg.gather [hbm4b:s2+s3], $0x80, v4, vm0, $0xb8;
	[tilespmem:$0x18180] =	vst v63  }
0x1a5: {  	s11 =	simm.s32 $0x9980;
	v3 =	vadd.s32 v1, v3  }
0x1a6: {  	[tilespmem:s11], [sflag:$0x1] =	stream.indirect_vreg.gather [hbm4b:s4+s3], $0x80, v4, vm0, $0xb8;
	[tilespmem:$0x18180] =	vst v63  }
0x1a7: {  	s8 =	simm.s32 $0xA180  }
0x1a8: {  	[tilespmem:s8], [sflag:$0x1] =	stream.indirect_vreg.gather [hbm4b:s5+s3], $0x80, v4, vm0, $0xb8;
	[tilespmem:$0x18180] =	vst v63  }
0x1a9: {  	s11 =	simm.s32 $0xA980  }
0x1aa: {  	[tilespmem:s11], [sflag:$0x1] =	stream.indirect_vreg.gather [hbm4b:s2+s3], $0x80, v3, vm0, $0xb8;
	[tilespmem:$0x18180] =	vst v63  }
0x1ab: {  	s8 =	simm.s32 $0xB180  }
0x1ac: {  	[tilespmem:s8], [sflag:$0x1] =	stream.indirect_vreg.gather [hbm4b:s4+s3], $0x80, v3, vm0, $0xb8;
	[tilespmem:$0x18180] =	vst v63  }
0x1ad: {  	s11 =	simm.s32 $0xB980  }
0x1ae: {  	[tilespmem:s11], [sflag:$0x1] =	stream.indirect_vreg.gather [hbm4b:s5+s3], $0x80, v3, vm0, $0xb8;
	[tilespmem:$0x18180] =	vst v63  }
0x1af: {  	_ =	swait.ge [sflag:s0], $0xC000  }
0x1b0: {  	[sflag:s0] =	ssyncset.done $0x0  }
0x1b1: {  	s8 =	rddreg [dreg:$0x9];
	[sflag:s0] =	ssyncadd.s32 $0xFFFF4000  }
0x1b2: {  	[hbm4b:s8+s3] =	stream.linear.scatter [tilespmem:s10], [sflag:$0x2], $0xC000, $0x38;
	[tilespmem:$0x18180] =	vst v63  }
0x1b3: {  	p0 =	sne.s32 s6, $0x1;
	_ =	swait.ge [sflag:s7], $0xC000  }
.Ltmp0:
0x1b4: {  	[sflag:s7] =	ssyncset.done $0x0;
	(pc) =	sbr.rel @p0 .LBB2_1-.Ltmp0, $4  }
0x1b5: {  	[sflag:s7] =	ssyncadd.s32 $0xFFFF4000  }
0x1b6: {  	_ =	swait.ge [sflag:s9], $0xC000  }
0x1b7: {  	[sflag:s9] =	ssyncset.done $0x0  }
0x1b8: {  	s6 =	sadd.s32 $0xFFFFFFFF, s6;
	[sflag:s9] =	ssyncadd.s32 $0xFFFF4000  }
0x1b9: {  	_ =	sfence.sel $0x180000  }
0x1ba: {  	[bflag:$0x0] =	sbarrier.arrive $0xFFFF  }
0x1bb: {  	_ =	strace $0x90000047  }
0x1bc: {  	s0 =	stileid.u32;
	[bflag:$0x2] =	sbarrier.arrive $0xFFFF  }
0x1bd: {  	p0 =	sne.s32 s0, $0x0;
	s0 =	rddreg [dreg:$0x3]  }
0x1be: {  	s0 =	sadd.s32 @!p0 $0x100000, s0  }
0x1bf: {  	[sflag:s0] =	ssyncadd.tile.s32 @!p0 $0x1;
	_ =	shalt  }
.Lfunc_end2:
_tile_overlayer_lowered:
.L_overlay_start_2:
0x1c0: {  	(tag) =	ssettag $0x2  }
0x1c1: {  	s0 =	rddreg [dreg:$0x0];
	s2 =	stileid.u32  }
0x1c2: {  	s1 =	rddreg [dreg:$0x1];
	p0 =	sne.s32 s2, $0x0  }
0x1c3: {  	s3 =	rddreg [dreg:$0x2];
	[bflag:$0x3] =	sbarrier.arrive $0xFFFF;
	s2 =	simm.s32 @!p0 $0x1C04  }
0x1c4: {  	[timem:s3], [sflag:s2] =	dma.local @!p0 [hbm:s0], s1  }
0x1c5: {  	s0 =	simm.s32 @!p0 $0x4  }
0x1c6: {  	_ =	swait.ge @!p0 [sflag:s0], s1  }
0x1c7: {  	s1 =	ssub.s32 @!p0 $0x0, s1;
	[sflag:s0] =	ssyncset.done @!p0 $0x0  }
0x1c8: {  	[sflag:s0] =	ssyncadd.s32 @!p0 s1  }
0x1c9: {  	[bflag:$0x3] =	sbarrier.arrive $0xFFFF  }
0x1ca: {  	_ =	shalt  }

// kernel: kernel.8.cloned.1.call-start
scs
__scs_entry_jumppad:
0x0: {  	(pc) =	sbr.rel $0x88, $3  }
0x1: {  	(tag) =	ssettag $0x0;
	lr =	simm.s32 $0x1  }
0x2: {  	[smem:$0x3F97] =	sst lr;
	_ =	strace $0xD0000000  }
0x3: {  	_ = 	snop  }
0x4: {  	_ = 	snop  }
0x5: {  	_ = 	snop  }
0x6: {  	_ = 	snop  }
0x7: {  	_ = 	snop  }
__scs_overlays_trampoline_lowered:
0x8: {  	[smem:$0x3FA6] =	sst s0  }
0x9: {  	[smem:$0x3FA7] =	sst s1  }
0xa: {  	[smem:$0x3FA8] =	sst s2  }
0xb: {  	[smem:$0x3FA9] =	sst s3  }
0xc: {  	[smem:$0x3FAA] =	sst s4  }
0xd: {  	[smem:$0x3FAB] =	sst s5  }
0xe: {  	[smem:$0x3FAC] =	sst s6  }
0xf: {  	[smem:$0x3FAD] =	sst s7  }
0x10: {  	[smem:$0x3FAE] =	sst s8  }
0x11: {  	[smem:$0x3FAF] =	sst s9;
	s0 =	simm.s32 @!p0 $0x0  }
0x12: {  	s1 =	sld [smem:$0x3F95];
	s0 =	simm.s32 @p0 $0x1  }
0x13: {  	[smem:$0x3FB0] =	sst s0;
	s0 =	simm.s32 @!p1 $0x0  }
0x14: {  	s2 =	sld [smem:$0x3F94];
	s0 =	simm.s32 @p1 $0x1  }
0x15: {  	[smem:$0x3FB1] =	sst s0;
	s0 =	simm.s32 @!p2 $0x0  }
0x16: {  	s3 =	sld [smem:$0x3FDB];
	s0 =	simm.s32 @p2 $0x1  }
0x17: {  	s4 =	simm.s32 $0x1BF5;
	[smem:$0x3FB3] =	sst s0  }
0x18: {  	s0 =	sld [smem:$0x3F96];
	_ =	swait.ge [sflag:s4], $0x0  }
0x19: {  	s7 =	sld [smem:$0x3F97]  }
0x1a: {  	s8 =	sadd.s32 $0xFFFFE003, lr  }
0x1b: {  	s9 =	sadd.s32 $0xFFFFFEF7, lr;
	s5 =	simm.s32 $0xFFFFFFFF;
	p2 =	slt.u32 s8, $0xFFFFF086  }
0x1c: {  	p1 =	slt.u32 s9, $0xF7A;
	s5 =	simm.s32 @!p2 $0x0  }
0x1d: {  	s5 =	simm.s32 @p1 $0x1;
	p0 =	seq.s32 s7, s2  }
0x1e: {  	s7 =	smul.u32 @!p0 $0xF7A, s2;
	p2 =	seq.s32 @!p0 s5, $0x0  }
0x1f: {  	s9 =	smul.u32 $0xF7A, s1;
	s8 =	simm.s32 @!p0 $0x1BF5;
	p2 =	por !p2, p0  }
0x20: {  	[sflag:s8] =	ssyncset.s32 @!p0 $0xFFFFF086;
	s6 =	sadd.s32 @!p0 s3, s7;
	s7 =	simm.s32 @!p0 $0x108  }
0x21: {  	s3 =	sadd.s32 s3, s9;
	s6 =	sadd.s32 @!p0 $0x88, s6;
	s7 =	simm.s32 @p2 $0x1082  }
0x22: {  	[simem:s7], [sflag:s8] =	dma.local @!p0 [hbm:s6], $0xF7A  }
0x23: {  	s9 =	sor.u32 $0xD0000000, s2;
	s6 =	simm.s32 $0x108;
	_ =	swait.ge @!p0 [sflag:s8], $0x0  }
0x24: {  	s3 =	sadd.s32 $0x88, s3;
	s6 =	simm.s32 @!p1 $0x1082;
	[sflag:s4] =	ssyncset.s32 $0xFFFFF086  }
0x25: {  	[simem:s6], [sflag:s4] =	dma.local [hbm:s3], $0xF7A  }
0x26: {  	[smem:$0x3F97] =	sst s1;
	(tag) =	ssettag s2;
	_ =	strace s9  }
0x27: {  	s1 =	sld [smem:$0x3FA7]  }
0x28: {  	s2 =	sld [smem:$0x3FA8]  }
0x29: {  	s4 =	sld [smem:$0x3FAA]  }
0x2a: {  	p0 =	seq.s32 s5, $0x0;
	s5 =	sld [smem:$0x3FAB]  }
0x2b: {  	s6 =	sld [smem:$0x3FAC]  }
0x2c: {  	s7 =	sld [smem:$0x3FAD]  }
0x2d: {  	s3 =	simm.s32 $0x108;
	s8 =	sld [smem:$0x3FAE]  }
0x2e: {  	s3 =	simm.s32 @!p0 $0x1082;
	s9 =	sld [smem:$0x3FAF]  }
0x2f: {  	lr =	sadd.s32 s0, s3;
	s0 =	sld [smem:$0x3FA6]  }
0x30: {  	s3 =	sld [smem:$0x3FA9]  }
0x31: {  	[smem:$0x3FB2] =	sst s10  }
0x32: {  	s10 =	sld [smem:$0x3FB0];
	_ =	sdelay $0x3  }
0x33: {  	p0 =	seq.s32 s10, $0x1;
	s10 =	sld [smem:$0x3FB2];
	_ =	sdelay $0x3  }
0x34: {  	[smem:$0x3FB2] =	sst s10  }
0x35: {  	s10 =	sld [smem:$0x3FB1];
	_ =	sdelay $0x3  }
0x36: {  	p1 =	seq.s32 s10, $0x1;
	s10 =	sld [smem:$0x3FB2];
	_ =	sdelay $0x3  }
0x37: {  	[smem:$0x3FB2] =	sst s10  }
0x38: {  	s10 =	sld [smem:$0x3FB3]  }
0x39: {  	_ = 	snop;
	(pc) =	sbr.ind lr, $3  }
0x3a: {  	_ = 	snop  }
0x3b: {  	_ = 	snop  }
0x3c: {  	p2 =	seq.s32 s10, $0x1;
	s10 =	sld [smem:$0x3FB2]  }
0x3d: {  	_ =	shalt  }
0x3e: {  	_ =	shalt  }
0x3f: {  	_ =	shalt  }
0x40: {  	_ =	shalt  }
0x41: {  	_ =	shalt  }
0x42: {  	_ =	shalt  }
0x43: {  	_ =	shalt  }
0x44: {  	_ =	shalt  }
0x45: {  	_ =	shalt  }
0x46: {  	_ =	shalt  }
0x47: {  	_ =	shalt  }
0x48: {  	_ =	shalt  }
0x49: {  	_ =	shalt  }
0x4a: {  	_ =	shalt  }
0x4b: {  	_ =	shalt  }
0x4c: {  	_ =	shalt  }
0x4d: {  	_ =	shalt  }
0x4e: {  	_ =	shalt  }
0x4f: {  	_ =	shalt  }
0x50: {  	_ =	shalt  }
0x51: {  	_ =	shalt  }
0x52: {  	_ =	shalt  }
0x53: {  	_ =	shalt  }
0x54: {  	_ =	shalt  }
0x55: {  	_ =	shalt  }
0x56: {  	_ =	shalt  }
0x57: {  	_ =	shalt  }
0x58: {  	_ =	shalt  }
0x59: {  	_ =	shalt  }
0x5a: {  	_ =	shalt  }
0x5b: {  	_ =	shalt  }
0x5c: {  	_ =	shalt  }
0x5d: {  	_ =	shalt  }
0x5e: {  	_ =	shalt  }
0x5f: {  	_ =	shalt  }
0x60: {  	_ =	shalt  }
0x61: {  	_ =	shalt  }
0x62: {  	_ =	shalt  }
0x63: {  	_ =	shalt  }
0x64: {  	_ =	shalt  }
0x65: {  	_ =	shalt  }
0x66: {  	_ =	shalt  }
0x67: {  	_ =	shalt  }
0x68: {  	_ =	shalt  }
0x69: {  	_ =	shalt  }
0x6a: {  	_ =	shalt  }
0x6b: {  	_ =	shalt  }
0x6c: {  	_ =	shalt  }
0x6d: {  	_ =	shalt  }
0x6e: {  	_ =	shalt  }
0x6f: {  	_ =	shalt  }
0x70: {  	_ =	shalt  }
0x71: {  	_ =	shalt  }
0x72: {  	_ =	shalt  }
0x73: {  	_ =	shalt  }
0x74: {  	_ =	shalt  }
0x75: {  	_ =	shalt  }
0x76: {  	_ =	shalt  }
0x77: {  	_ =	shalt  }
0x78: {  	_ =	shalt  }
0x79: {  	_ =	shalt  }
0x7a: {  	_ =	shalt  }
0x7b: {  	_ =	shalt  }
0x7c: {  	_ =	shalt  }
0x7d: {  	_ =	shalt  }
0x7e: {  	_ =	shalt  }
0x7f: {  	_ =	shalt  }
0x80: {  	_ =	shalt  }
0x81: {  	_ =	shalt  }
0x82: {  	_ =	shalt  }
0x83: {  	_ =	shalt  }
0x84: {  	_ =	shalt  }
0x85: {  	_ =	shalt  }
0x86: {  	_ =	shalt  }
0x87: {  	_ =	shalt  }
.Lfunc_end0:
.L_simem_size_0:
called_computation.1_lowered:
.L_overlay_start_0:
0x88: {  	s2 =	sld [smem:$0x3FD9]  }
0x89: {  	s3 =	sld [smem:$0x3FFE];
	_ =	sdelay $0x1  }
0x8a: {  	s1 =	srdreg.scid  }
0x8b: {  	s0 =	sand.u32 $0x1, s1  }
0x8c: {  	s17 =	sshll.u32 s0, $0xA;
	s2 =	sadd.s32 s3, s2  }
0x8d: {  	s2 =	sadd.s32 s2, s17  }
0x8e: {  	[smem:$0x3FBE] =	sst s2  }
0x8f: {  	_ = 	snop  }
0x90: {  	s18 =	sld [smem:$0x3FC9];
	(tm) =	ssettm $0x1  }
0x91: {  	s19 =	sld [smem:$0x3FFB];
	_ =	sdelay $0x3  }
0x92: {  	_ =	strace s19  }
0x93: {  	s2 =	sld [smem:$0x3FFC];
	_ =	sdelay $0x3  }
0x94: {  	_ =	strace s2  }
0x95: {  	s2 =	sld [smem:$0x3FFD];
	_ =	sdelay $0x3  }
0x96: {  	_ =	strace s2  }
0x97: {  	_ =	strace $0x8FFFFFFF  }
0x98: {  	s20 =	sld [smem:$0x3FDB];
	_ =	sdelay $0x1  }
0x99: {  	s4 =	simm.s32 $_scs_section_size  }
0x9a: {  	s5 =	simm.s32 $_size__tile_overlayer_lowered;
	s6 =	simm.s32 $_tile_overlayer_lowered  }
0x9b: {  	s7 =	simm.s32 $0x1BFF;
	s21 =	sshll.u32 s6, $0x1;
	s4 =	sadd.s32 s4, s20  }
0x9c: {  	s22 =	simm.s32 $0x0;
	s5 =	sshll.u32 s5, $0x1;
	s6 =	sadd.s32 s21, s4  }
0x9d: {  	[timem:s22], [sflag:s7] =	dma.local [hbm:s6], s5  }
0x9e: {  	_ =	swait.ge [sflag:s7], s5  }
0x9f: {  	s5 =	ssub.s32 $0x0, s5;
	[sflag:s7] =	ssyncset.done $0x0  }
0xa0: {  	[sflag:s7] =	ssyncadd.s32 s5;
	_ =	sdelay $0x1  }
0xa1: {  	s23 =	simm.s32 $0x1B8B  }
0xa2: {  	_ =	swait.ge [sflag:s23], $0x1  }
0xa3: {  	[sflag:s23] =	ssyncset.done $0x0  }
0xa4: {  	[sflag:s23] =	ssyncadd.s32 $0xFFFFFFFF  }
0xa5: {  	s5 =	sld [smem:$0x0]  }
0xa6: {  	s6 =	sand.u32 $0xFFFFFFFE, s1  }
0xa7: {  	p0 =	sne.s32 s1, s6  }
0xa8: {  	s6 =	sshll.u32 @p0 s6, $0xE  }
0xa9: {  	s6 =	sadd.s32 @p0 $0x11B8D, s6;
	s7 =	sshll.u32 @p0 s5, $0x11  }
0xaa: {  	s6 =	sor.u32 @p0 s7, s6  }
0xab: {  	[sflag:s6] =	ssyncadd.remote.s32 @p0 $0x1;
	_ =	sdelay $0x1  }
0xac: {  	s6 =	simm.s32 @p0 $0x1B8D  }
0xad: {  	_ =	swait.eq @p0 [sflag:s6], $0x1  }
0xae: {  	[sflag:s6] =	ssyncadd.s32 @p0 $0xFFFFFFFF  }
0xaf: {  	s7 =	sshll.u32 @!p0 s1, $0xE  }
0xb0: {  	s7 =	sor.u32 @!p0 $0x4000, s7;
	s6 =	simm.s32 @!p0 $0x1B8D  }
0xb1: {  	s5 =	sshll.u32 @!p0 s5, $0x11;
	s7 =	sadd.s32 @!p0 $0x11B8D, s7;
	_ =	swait.eq @!p0 [sflag:s6], $0x1  }
0xb2: {  	s5 =	sor.u32 @!p0 s5, s7;
	[sflag:s6] =	ssyncadd.s32 @!p0 $0xFFFFFFFF  }
0xb3: {  	s25 =	simm.s32 $0x1B8E;
	s24 =	sld [smem:$0x3FFE];
	[sflag:s5] =	ssyncadd.remote.s32 @!p0 $0x1  }
0xb4: {  	s26 =	simm.s32 $execute0_lowered;
	[smem:$0x3FD2] =	sst s25  }
0xb5: {  	s6 =	sshll.u32 s26, $0x1;
	_ =	strace $0x80000049;
	[dreg:$0x1] =	wrdreg $0xFFFFFFFF  }
0xb6: {  	s28 =	simm.s32 $_size_execute0_lowered;
	s4 =	sadd.s32 s4, s6;
	[dreg:$0x0] =	wrdreg $0x0  }
0xb7: {  	s6 =	sshll.u32 s28, $0x1;
	[dreg:$0x2] =	wrdreg s4  }
0xb8: {  	[dreg:$0x3] =	wrdreg s6  }
0xb9: {  	[dreg:$0x4] =	wrdreg $0xC0  }
0xba: {  	_ =	task [dreg:s22], $0x5FFFF  }
0xbb: {  	[dreg:$0x1] =	wrdreg $0xFFFFFFFF  }
0xbc: {  	[dreg:$0x0] =	wrdreg $0x60  }
0xbd: {  	[dreg:$0x2] =	wrdreg s18  }
0xbe: {  	[dreg:$0x3] =	wrdreg s24  }
0xbf: {  	[dreg:$0x4] =	wrdreg $0xA  }
0xc0: {  	_ =	task.clear_ibuf [dreg:s22], $0x5FFFF;
	_ =	strace $0x90000049  }
0xc1: {  	s29 =	simm.s32 $0xA;
	_ =	strace $0x8000004B  }
0xc2: {  	_ =	swait.ge [sflag:s29], $0x1  }
0xc3: {  	[sflag:s29] =	ssyncadd.s32 $0xFFFFFFFF  }
0xc4: {  	_ =	strace $0x9000004B  }
0xc5: {  	_ =	sfence  }
0xc6: {  	s30 =	sld [smem:$0x0];
	_ =	sdelay $0x2  }
0xc7: {  	s31 =	sshll.u32 s1, $0xD;
	s1 =	sshrl.u32 s1, $0x2  }
0xc8: {  	s4 =	sand.u32 $0x4000, s31;
	s1 =	sadd.s32 s1, s30  }
0xc9: {  	s0 =	sor.u32 s4, s0;
	s1 =	sshll.u32 s1, $0x11  }
0xca: {  	s0 =	sor.u32 s1, s0  }
0xcb: {  	s0 =	sadd.s32 $0x8F2B, s0  }
0xcc: {  	[sflag:s0] =	ssyncadd.remote.s32 $0x1  }
0xcd: {  	_ =	sfence.sel $0xFFFF  }
0xce: {  	[dreg:$0x0] =	wrdreg $0xFFFFFFFF;
	(pc) =	sbr.abs _section_cstart, $3  }
0xcf: {  	[dreg:$0x1] =	wrdreg $0xFFFFFFFF  }
0xd0: {  	_ =	task.clear_ibuf [dreg:s22], $0x2FFFF;
	_ =	strace $0x9FFFFFFF  }
0xd1: {  	(tm) =	ssettm $0x7FFFFFFF  }
tec
execute0_lowered:
.L_overlay_start_1:
0x0: {  	(tag) =	ssettag $0x1  }
0x1: {  	s0 =	srdreg.scid  }
0x2: {  	s1 =	stileid.u32;
	s2 =	rddreg [dreg:$0x0]  }
0x3: {  	s4 =	rddreg [dreg:$0x1];
	s3 =	simm.s32 $0x0;
	s7 =	simm.s32 $0x2  }
0x4: {  	s10 =	simm.s32 $0x180;
	s12 =	simm.s32 $0xD980;
	s13 =	simm.s32 $0xE180  }
0x5: {  	s14 =	simm.s32 $0xE980;
	s0 =	sand.u32 $0x1, s0;
	s1 =	sshll.u32 s1, $0x1  }
0x6: {  	s15 =	simm.s32 $0xF180;
	s16 =	simm.s32 $0xF980;
	s1 =	sor.u32 s0, s1  }
0x7: {  	s17 =	simm.s32 $0x10180;
	s18 =	simm.s32 $0x10980;
	s1 =	smul.u32 $0x140, s1  }
0x8: {  	s19 =	simm.s32 $0x11180;
	s20 =	simm.s32 $0x11980;
	s28 =	simm.s32 $0x15180  }
0x9: {  	s29 =	simm.s32 $0x15980;
	s30 =	simm.s32 $0x16180;
	s1 =	sshrl.u32 s1, $0x3  }
0xa: {  	[smem:$0x7FF] =	sst s3;
	s0 =	ssub.s32 $0x2, s0;
	s5 =	smul.u32 $0x300, s1  }
0xb: {  	s31 =	simm.s32 $0x16980;
	_ =	strace $0x8000004A;
	s22 =	sshrl.u32 s0, $0x1  }
0xc: {  	s0 =	ssub.s32 s0, s22;
	s1 =	sadd.s32 s4, s1;
	s6 =	sadd.s32 s5, s4  }
0xd: {  	s22 =	simm.s32 $0x12980;
	[dreg:$0x3] =	wrdreg s1;
	s21 =	sadd.s32 $0xF0600, s6  }
0xe: {  	s4 =	sadd.s32 $0x100, s2;
	s23 =	sadd.s32 $0xF1E00, s6;
	[dreg:$0x4] =	wrdreg s21  }
0xf: {  	s5 =	sadd.s32 $0x200, s2;
	s24 =	sadd.s32 $0xF3600, s6;
	[dreg:$0x5] =	wrdreg s23  }
0x10: {  	s25 =	sadd.s32 $0xF4E00, s6;
	s26 =	sadd.s32 $0xF6600, s6;
	[dreg:$0x6] =	wrdreg s24  }
0x11: {  	v2 =	vlaneseq.u32;
	s6 =	smax.u32 s0, $0x1;
	s0 =	simm.s32 $0x1;
	[dreg:$0x7] =	wrdreg s25  }
0x12: {  	vm0 =	vmmov $0xffff;
	v1 =	vshrl.u32 v2, $0x3;
	[dreg:$0x8] =	wrdreg s26;
	s21 =	simm.s32 $0x12180;
	s23 =	simm.s32 $0x13180  }
0x13: {  	v0 =	vand.u32 $0x7, v2;
	v2 =	vor.u32 $0x8, v2;
	v1 =	vmul.u32 $0x8, v1;
	s24 =	simm.s32 $0x13980;
	s25 =	simm.s32 $0x14180;
	s26 =	simm.s32 $0x14980  }
.LBB2_1:
0x14: {  	s11 =	rddreg [dreg:$0x3];
	s1 =	simm.s32 $0x4  }
0x15: {  	[tilespmem:s3], [sflag:$0x4] =	stream.linear.gather [hbm4b:s11+s3], $0x140, $0x38;
	[tilespmem:$0x18180] =	vst v63  }
0x16: {  	_ =	swait.ge [sflag:s1], $0x140  }
0x17: {  	[sflag:s1] =	ssyncset.done $0x0  }
0x18: {  	[sflag:s1] =	ssyncadd.s32 $0xFFFFFEC0  }
0x19: {  	v3 =	vld [tilespmem:$0x0];
	_ =	sdelay $0x4  }
0x1a: {  	v4 =	vshrl.u32 v3, $0x3  }
0x1b: {  	v4 =	vmul.u32 $0x30, v4  }
0x1c: {  	v3 =	vand.u32 $0x7, v3  }
0x1d: {  	v3 =	vor.u32 v3, v4  }
0x1e: {  	v4 =	vperm.xlane v3, v0;
	_ =	sdelay $0x1  }
0x1f: {  	v4 =	vadd.s32 v1, v4;
	_ =	sdelay $0x3  }
0x20: {  	v3 =	vperm.xlane v3, v2  }
0x21: {  	[tilespmem:s10], [sflag:$0x1] =	stream.indirect_vreg.gather [hbm4b:s2+s3], $0x80, v4, vm0, $0xb8;
	[tilespmem:$0x18180] =	vst v63  }
0x22: {  	s1 =	simm.s32 $0x980;
	v3 =	vadd.s32 v1, v3  }
0x23: {  	[tilespmem:s1], [sflag:$0x1] =	stream.indirect_vreg.gather [hbm4b:s4+s3], $0x80, v4, vm0, $0xb8;
	[tilespmem:$0x18180] =	vst v63  }
0x24: {  	s8 =	simm.s32 $0x1180  }
0x25: {  	[tilespmem:s8], [sflag:$0x1] =	stream.indirect_vreg.gather [hbm4b:s5+s3], $0x80, v4, vm0, $0xb8;
	[tilespmem:$0x18180] =	vst v63  }
0x26: {  	s11 =	simm.s32 $0x1980  }
0x27: {  	[tilespmem:s11], [sflag:$0x1] =	stream.indirect_vreg.gather [hbm4b:s2+s3], $0x80, v3, vm0, $0xb8;
	[tilespmem:$0x18180] =	vst v63  }
0x28: {  	s8 =	simm.s32 $0x2180  }
0x29: {  	[tilespmem:s8], [sflag:$0x1] =	stream.indirect_vreg.gather [hbm4b:s4+s3], $0x80, v3, vm0, $0xb8;
	[tilespmem:$0x18180] =	vst v63  }
0x2a: {  	s11 =	simm.s32 $0x2980  }
0x2b: {  	[tilespmem:s11], [sflag:$0x1] =	stream.indirect_vreg.gather [hbm4b:s5+s3], $0x80, v3, vm0, $0xb8;
	[tilespmem:$0x18180] =	vst v63  }
0x2c: {  	v3 =	vld [tilespmem:$0x10];
	_ =	sdelay $0x4  }
0x2d: {  	v45 =	vshrl.u32 v3, $0x3  }
0x2e: {  	v4 =	vmul.u32 $0x30, v45  }
0x2f: {  	v3 =	vand.u32 $0x7, v3  }
0x30: {  	v3 =	vor.u32 v3, v4  }
0x31: {  	v4 =	vperm.xlane v3, v0;
	_ =	sdelay $0x1  }
0x32: {  	v4 =	vadd.s32 v1, v4;
	_ =	sdelay $0x3  }
0x33: {  	s8 =	simm.s32 $0x3180;
	v3 =	vperm.xlane v3, v2  }
0x34: {  	[tilespmem:s8], [sflag:$0x1] =	stream.indirect_vreg.gather [hbm4b:s2+s3], $0x80, v4, vm0, $0xb8;
	[tilespmem:$0x18180] =	vst v63  }
0x35: {  	s11 =	simm.s32 $0x3980;
	v3 =	vadd.s32 v1, v3  }
0x36: {  	[tilespmem:s11], [sflag:$0x1] =	stream.indirect_vreg.gather [hbm4b:s4+s3], $0x80, v4, vm0, $0xb8;
	[tilespmem:$0x18180] =	vst v63  }
0x37: {  	s8 =	simm.s32 $0x4180  }
0x38: {  	[tilespmem:s8], [sflag:$0x1] =	stream.indirect_vreg.gather [hbm4b:s5+s3], $0x80, v4, vm0, $0xb8;
	[tilespmem:$0x18180] =	vst v63  }
0x39: {  	s11 =	simm.s32 $0x4980  }
0x3a: {  	[tilespmem:s11], [sflag:$0x1] =	stream.indirect_vreg.gather [hbm4b:s2+s3], $0x80, v3, vm0, $0xb8;
	[tilespmem:$0x18180] =	vst v63  }
0x3b: {  	s8 =	simm.s32 $0x5180  }
0x3c: {  	[tilespmem:s8], [sflag:$0x1] =	stream.indirect_vreg.gather [hbm4b:s4+s3], $0x80, v3, vm0, $0xb8;
	[tilespmem:$0x18180] =	vst v63  }
0x3d: {  	s11 =	simm.s32 $0x5980  }
0x3e: {  	[tilespmem:s11], [sflag:$0x1] =	stream.indirect_vreg.gather [hbm4b:s5+s3], $0x80, v3, vm0, $0xb8;
	[tilespmem:$0x18180] =	vst v63  }
0x3f: {  	v3 =	vld [tilespmem:$0x20];
	_ =	sdelay $0x4  }
0x40: {  	v46 =	vshrl.u32 v3, $0x3  }
0x41: {  	v4 =	vmul.u32 $0x30, v46  }
0x42: {  	v3 =	vand.u32 $0x7, v3  }
0x43: {  	v3 =	vor.u32 v3, v4  }
0x44: {  	v4 =	vperm.xlane v3, v0;
	_ =	sdelay $0x1  }
0x45: {  	v4 =	vadd.s32 v1, v4;
	_ =	sdelay $0x3  }
0x46: {  	s8 =	simm.s32 $0x6180;
	v3 =	vperm.xlane v3, v2  }
0x47: {  	[tilespmem:s8], [sflag:$0x1] =	stream.indirect_vreg.gather [hbm4b:s2+s3], $0x80, v4, vm0, $0xb8;
	[tilespmem:$0x18180] =	vst v63  }
0x48: {  	s11 =	simm.s32 $0x6980;
	v3 =	vadd.s32 v1, v3  }
0x49: {  	[tilespmem:s11], [sflag:$0x1] =	stream.indirect_vreg.gather [hbm4b:s4+s3], $0x80, v4, vm0, $0xb8;
	[tilespmem:$0x18180] =	vst v63  }
0x4a: {  	s8 =	simm.s32 $0x7180  }
0x4b: {  	[tilespmem:s8], [sflag:$0x1] =	stream.indirect_vreg.gather [hbm4b:s5+s3], $0x80, v4, vm0, $0xb8;
	[tilespmem:$0x18180] =	vst v63  }
0x4c: {  	s11 =	simm.s32 $0x7980  }
0x4d: {  	[tilespmem:s11], [sflag:$0x1] =	stream.indirect_vreg.gather [hbm4b:s2+s3], $0x80, v3, vm0, $0xb8;
	[tilespmem:$0x18180] =	vst v63  }
0x4e: {  	s8 =	simm.s32 $0x8180  }
0x4f: {  	[tilespmem:s8], [sflag:$0x1] =	stream.indirect_vreg.gather [hbm4b:s4+s3], $0x80, v3, vm0, $0xb8;
	[tilespmem:$0x18180] =	vst v63  }
0x50: {  	s11 =	simm.s32 $0x8980  }
0x51: {  	[tilespmem:s11], [sflag:$0x1] =	stream.indirect_vreg.gather [hbm4b:s5+s3], $0x80, v3, vm0, $0xb8;
	[tilespmem:$0x18180] =	vst v63  }
0x52: {  	v3 =	vld [tilespmem:$0x30];
	_ =	sdelay $0x4  }
0x53: {  	v47 =	vshrl.u32 v3, $0x3  }
0x54: {  	v4 =	vmul.u32 $0x30, v47  }
0x55: {  	v3 =	vand.u32 $0x7, v3  }
0x56: {  	v3 =	vor.u32 v3, v4  }
0x57: {  	v4 =	vperm.xlane v3, v0;
	_ =	sdelay $0x1  }
0x58: {  	v4 =	vadd.s32 v1, v4;
	_ =	sdelay $0x3  }
0x59: {  	s8 =	simm.s32 $0x9180;
	v3 =	vperm.xlane v3, v2  }
0x5a: {  	[tilespmem:s8], [sflag:$0x1] =	stream.indirect_vreg.gather [hbm4b:s2+s3], $0x80, v4, vm0, $0xb8;
	[tilespmem:$0x18180] =	vst v63  }
0x5b: {  	s11 =	simm.s32 $0x9980;
	v3 =	vadd.s32 v1, v3  }
0x5c: {  	[tilespmem:s11], [sflag:$0x1] =	stream.indirect_vreg.gather [hbm4b:s4+s3], $0x80, v4, vm0, $0xb8;
	[tilespmem:$0x18180] =	vst v63  }
0x5d: {  	s8 =	simm.s32 $0xA180  }
0x5e: {  	[tilespmem:s8], [sflag:$0x1] =	stream.indirect_vreg.gather [hbm4b:s5+s3], $0x80, v4, vm0, $0xb8;
	[tilespmem:$0x18180] =	vst v63  }
0x5f: {  	s11 =	simm.s32 $0xA980  }
0x60: {  	[tilespmem:s11], [sflag:$0x1] =	stream.indirect_vreg.gather [hbm4b:s2+s3], $0x80, v3, vm0, $0xb8;
	[tilespmem:$0x18180] =	vst v63  }
0x61: {  	s8 =	simm.s32 $0xB180  }
0x62: {  	[tilespmem:s8], [sflag:$0x1] =	stream.indirect_vreg.gather [hbm4b:s4+s3], $0x80, v3, vm0, $0xb8;
	[tilespmem:$0x18180] =	vst v63  }
0x63: {  	s11 =	simm.s32 $0xB980  }
0x64: {  	[tilespmem:s11], [sflag:$0x1] =	stream.indirect_vreg.gather [hbm4b:s5+s3], $0x80, v3, vm0, $0xb8;
	[tilespmem:$0x18180] =	vst v63  }
0x65: {  	_ =	swait.ge [sflag:s0], $0xC000  }
0x66: {  	[sflag:s0] =	ssyncset.done $0x0  }
0x67: {  	s8 =	rddreg [dreg:$0x4];
	[sflag:s0] =	ssyncadd.s32 $0xFFFF4000  }
0x68: {  	[hbm4b:s8+s3] =	stream.linear.scatter [tilespmem:s10], [sflag:$0x2], $0xC000, $0x38;
	[tilespmem:$0x18180] =	vst v63  }
0x69: {  	v3 =	vld [tilespmem:$0x40];
	_ =	sdelay $0x4  }
0x6a: {  	v48 =	vshrl.u32 v3, $0x3  }
0x6b: {  	v4 =	vmul.u32 $0x30, v48  }
0x6c: {  	v3 =	vand.u32 $0x7, v3  }
0x6d: {  	v3 =	vor.u32 v3, v4  }
0x6e: {  	v4 =	vperm.xlane v3, v0;
	_ =	sdelay $0x1  }
0x6f: {  	v4 =	vadd.s32 v1, v4;
	_ =	sdelay $0x3  }
0x70: {  	s1 =	simm.s32 $0xC180;
	v3 =	vperm.xlane v3, v2  }
0x71: {  	[tilespmem:s1], [sflag:$0x1] =	stream.indirect_vreg.gather [hbm4b:s2+s3], $0x80, v4, vm0, $0xb8;
	[tilespmem:$0x18180] =	vst v63  }
0x72: {  	s8 =	simm.s32 $0xC980;
	v3 =	vadd.s32 v1, v3  }
0x73: {  	[tilespmem:s8], [sflag:$0x1] =	stream.indirect_vreg.gather [hbm4b:s4+s3], $0x80, v4, vm0, $0xb8;
	[tilespmem:$0x18180] =	vst v63  }
0x74: {  	s8 =	simm.s32 $0xD180  }
0x75: {  	[tilespmem:s8], [sflag:$0x1] =	stream.indirect_vreg.gather [hbm4b:s5+s3], $0x80, v4, vm0, $0xb8;
	[tilespmem:$0x18180] =	vst v63  }
0x76: {  	_ = 	snop  }
0x77: {  	[tilespmem:s12], [sflag:$0x1] =	stream.indirect_vreg.gather [hbm4b:s2+s3], $0x80, v3, vm0, $0xb8;
	[tilespmem:$0x18180] =	vst v63  }
0x78: {  	_ = 	snop  }
0x79: {  	[tilespmem:s13], [sflag:$0x1] =	stream.indirect_vreg.gather [hbm4b:s4+s3], $0x80, v3, vm0, $0xb8;
	[tilespmem:$0x18180] =	vst v63  }
0x7a: {  	_ = 	snop  }
0x7b: {  	[tilespmem:s14], [sflag:$0x1] =	stream.indirect_vreg.gather [hbm4b:s5+s3], $0x80, v3, vm0, $0xb8;
	[tilespmem:$0x18180] =	vst v63  }
0x7c: {  	v3 =	vld [tilespmem:$0x50];
	_ =	sdelay $0x4  }
0x7d: {  	v49 =	vshrl.u32 v3, $0x3  }
0x7e: {  	v4 =	vmul.u32 $0x30, v49  }
0x7f: {  	v3 =	vand.u32 $0x7, v3  }
0x80: {  	v3 =	vor.u32 v3, v4  }
0x81: {  	v4 =	vperm.xlane v3, v0;
	_ =	sdelay $0x1  }
0x82: {  	v4 =	vadd.s32 v1, v4;
	_ =	sdelay $0x3  }
0x83: {  	v3 =	vperm.xlane v3, v2  }
0x84: {  	[tilespmem:s15], [sflag:$0x1] =	stream.indirect_vreg.gather [hbm4b:s2+s3], $0x80, v4, vm0, $0xb8;
	[tilespmem:$0x18180] =	vst v63  }
0x85: {  	v3 =	vadd.s32 v1, v3  }
0x86: {  	[tilespmem:s16], [sflag:$0x1] =	stream.indirect_vreg.gather [hbm4b:s4+s3], $0x80, v4, vm0, $0xb8;
	[tilespmem:$0x18180] =	vst v63  }
0x87: {  	_ = 	snop  }
0x88: {  	[tilespmem:s17], [sflag:$0x1] =	stream.indirect_vreg.gather [hbm4b:s5+s3], $0x80, v4, vm0, $0xb8;
	[tilespmem:$0x18180] =	vst v63  }
0x89: {  	_ = 	snop  }
0x8a: {  	[tilespmem:s18], [sflag:$0x1] =	stream.indirect_vreg.gather [hbm4b:s2+s3], $0x80, v3, vm0, $0xb8;
	[tilespmem:$0x18180] =	vst v63  }
0x8b: {  	_ = 	snop  }
0x8c: {  	[tilespmem:s19], [sflag:$0x1] =	stream.indirect_vreg.gather [hbm4b:s4+s3], $0x80, v3, vm0, $0xb8;
	[tilespmem:$0x18180] =	vst v63  }
0x8d: {  	_ = 	snop  }
0x8e: {  	[tilespmem:s20], [sflag:$0x1] =	stream.indirect_vreg.gather [hbm4b:s5+s3], $0x80, v3, vm0, $0xb8;
	[tilespmem:$0x18180] =	vst v63  }
0x8f: {  	v3 =	vld [tilespmem:$0x60];
	_ =	sdelay $0x4  }
0x90: {  	v50 =	vshrl.u32 v3, $0x3  }
0x91: {  	v4 =	vmul.u32 $0x30, v50  }
0x92: {  	v3 =	vand.u32 $0x7, v3  }
0x93: {  	v3 =	vor.u32 v3, v4  }
0x94: {  	v4 =	vperm.xlane v3, v0;
	_ =	sdelay $0x1  }
0x95: {  	v4 =	vadd.s32 v1, v4;
	_ =	sdelay $0x3  }
0x96: {  	v3 =	vperm.xlane v3, v2  }
0x97: {  	[tilespmem:s21], [sflag:$0x1] =	stream.indirect_vreg.gather [hbm4b:s2+s3], $0x80, v4, vm0, $0xb8;
	[tilespmem:$0x18180] =	vst v63  }
0x98: {  	v3 =	vadd.s32 v1, v3  }
0x99: {  	[tilespmem:s22], [sflag:$0x1] =	stream.indirect_vreg.gather [hbm4b:s4+s3], $0x80, v4, vm0, $0xb8;
	[tilespmem:$0x18180] =	vst v63  }
0x9a: {  	_ = 	snop  }
0x9b: {  	[tilespmem:s23], [sflag:$0x1] =	stream.indirect_vreg.gather [hbm4b:s5+s3], $0x80, v4, vm0, $0xb8;
	[tilespmem:$0x18180] =	vst v63  }
0x9c: {  	_ = 	snop  }
0x9d: {  	[tilespmem:s24], [sflag:$0x1] =	stream.indirect_vreg.gather [hbm4b:s2+s3], $0x80, v3, vm0, $0xb8;
	[tilespmem:$0x18180] =	vst v63  }
0x9e: {  	_ = 	snop  }
0x9f: {  	[tilespmem:s25], [sflag:$0x1] =	stream.indirect_vreg.gather [hbm4b:s4+s3], $0x80, v3, vm0, $0xb8;
	[tilespmem:$0x18180] =	vst v63  }
0xa0: {  	_ = 	snop  }
0xa1: {  	[tilespmem:s26], [sflag:$0x1] =	stream.indirect_vreg.gather [hbm4b:s5+s3], $0x80, v3, vm0, $0xb8;
	[tilespmem:$0x18180] =	vst v63  }
0xa2: {  	v3 =	vld [tilespmem:$0x70];
	_ =	sdelay $0x4  }
0xa3: {  	v51 =	vshrl.u32 v3, $0x3  }
0xa4: {  	v4 =	vmul.u32 $0x30, v51  }
0xa5: {  	v3 =	vand.u32 $0x7, v3  }
0xa6: {  	v3 =	vor.u32 v3, v4  }
0xa7: {  	v4 =	vperm.xlane v3, v0;
	_ =	sdelay $0x1  }
0xa8: {  	v4 =	vadd.s32 v1, v4;
	_ =	sdelay $0x3  }
0xa9: {  	v3 =	vperm.xlane v3, v2  }
0xaa: {  	[tilespmem:s28], [sflag:$0x1] =	stream.indirect_vreg.gather [hbm4b:s2+s3], $0x80, v4, vm0, $0xb8;
	[tilespmem:$0x18180] =	vst v63  }
0xab: {  	v3 =	vadd.s32 v1, v3  }
0xac: {  	[tilespmem:s29], [sflag:$0x1] =	stream.indirect_vreg.gather [hbm4b:s4+s3], $0x80, v4, vm0, $0xb8;
	[tilespmem:$0x18180] =	vst v63  }
0xad: {  	_ = 	snop  }
0xae: {  	[tilespmem:s30], [sflag:$0x1] =	stream.indirect_vreg.gather [hbm4b:s5+s3], $0x80, v4, vm0, $0xb8;
	[tilespmem:$0x18180] =	vst v63  }
0xaf: {  	_ = 	snop  }
0xb0: {  	[tilespmem:s31], [sflag:$0x1] =	stream.indirect_vreg.gather [hbm4b:s2+s3], $0x80, v3, vm0, $0xb8;
	[tilespmem:$0x18180] =	vst v63  }
0xb1: {  	s11 =	simm.s32 $0x17180  }
0xb2: {  	[tilespmem:s11], [sflag:$0x1] =	stream.indirect_vreg.gather [hbm4b:s4+s3], $0x80, v3, vm0, $0xb8;
	[tilespmem:$0x18180] =	vst v63  }
0xb3: {  	s11 =	simm.s32 $0x17980  }
0xb4: {  	[tilespmem:s11], [sflag:$0x1] =	stream.indirect_vreg.gather [hbm4b:s5+s3], $0x80, v3, vm0, $0xb8;
	[tilespmem:$0x18180] =	vst v63  }
0xb5: {  	_ =	swait.ge [sflag:s0], $0xC000  }
0xb6: {  	[sflag:s0] =	ssyncset.done $0x0  }
0xb7: {  	s11 =	rddreg [dreg:$0x5];
	[sflag:s0] =	ssyncadd.s32 $0xFFFF4000  }
0xb8: {  	[hbm4b:s11+s3] =	stream.linear.scatter [tilespmem:s1], [sflag:$0x3], $0xC000, $0x38;
	[tilespmem:$0x18180] =	vst v63  }
0xb9: {  	_ =	swait.ge [sflag:s7], $0xC000  }
0xba: {  	[sflag:s7] =	ssyncset.done $0x0  }
0xbb: {  	[sflag:s7] =	ssyncadd.s32 $0xFFFF4000  }
0xbc: {  	v3 =	vld [tilespmem:$0x80];
	_ =	sdelay $0x4  }
0xbd: {  	v52 =	vshrl.u32 v3, $0x3  }
0xbe: {  	v4 =	vmul.u32 $0x30, v52  }
0xbf: {  	v3 =	vand.u32 $0x7, v3  }
0xc0: {  	v3 =	vor.u32 v3, v4  }
0xc1: {  	v4 =	vperm.xlane v3, v0;
	_ =	sdelay $0x1  }
0xc2: {  	v4 =	vadd.s32 v1, v4;
	_ =	sdelay $0x3  }
0xc3: {  	v3 =	vperm.xlane v3, v2  }
0xc4: {  	[tilespmem:s10], [sflag:$0x1] =	stream.indirect_vreg.gather [hbm4b:s2+s3], $0x80, v4, vm0, $0xb8;
	[tilespmem:$0x18180] =	vst v63  }
0xc5: {  	s9 =	simm.s32 $0x980;
	v3 =	vadd.s32 v1, v3  }
0xc6: {  	[tilespmem:s9], [sflag:$0x1] =	stream.indirect_vreg.gather [hbm4b:s4+s3], $0x80, v4, vm0, $0xb8;
	[tilespmem:$0x18180] =	vst v63  }
0xc7: {  	s11 =	simm.s32 $0x1180  }
0xc8: {  	[tilespmem:s11], [sflag:$0x1] =	stream.indirect_vreg.gather [hbm4b:s5+s3], $0x80, v4, vm0, $0xb8;
	[tilespmem:$0x18180] =	vst v63  }
0xc9: {  	s11 =	simm.s32 $0x1980  }
0xca: {  	[tilespmem:s11], [sflag:$0x1] =	stream.indirect_vreg.gather [hbm4b:s2+s3], $0x80, v3, vm0, $0xb8;
	[tilespmem:$0x18180] =	vst v63  }
0xcb: {  	s11 =	simm.s32 $0x2180  }
0xcc: {  	[tilespmem:s11], [sflag:$0x1] =	stream.indirect_vreg.gather [hbm4b:s4+s3], $0x80, v3, vm0, $0xb8;
	[tilespmem:$0x18180] =	vst v63  }
0xcd: {  	s11 =	simm.s32 $0x2980  }
0xce: {  	[tilespmem:s11], [sflag:$0x1] =	stream.indirect_vreg.gather [hbm4b:s5+s3], $0x80, v3, vm0, $0xb8;
	[tilespmem:$0x18180] =	vst v63  }
0xcf: {  	v3 =	vld [tilespmem:$0x90];
	_ =	sdelay $0x4  }
0xd0: {  	v53 =	vshrl.u32 v3, $0x3  }
0xd1: {  	v4 =	vmul.u32 $0x30, v53  }
0xd2: {  	v3 =	vand.u32 $0x7, v3  }
0xd3: {  	v3 =	vor.u32 v3, v4  }
0xd4: {  	v4 =	vperm.xlane v3, v0;
	_ =	sdelay $0x1  }
0xd5: {  	v4 =	vadd.s32 v1, v4;
	_ =	sdelay $0x3  }
0xd6: {  	s11 =	simm.s32 $0x3180;
	v3 =	vperm.xlane v3, v2  }
0xd7: {  	[tilespmem:s11], [sflag:$0x1] =	stream.indirect_vreg.gather [hbm4b:s2+s3], $0x80, v4, vm0, $0xb8;
	[tilespmem:$0x18180] =	vst v63  }
0xd8: {  	v3 =	vadd.s32 v1, v3;
	s11 =	simm.s32 $0x3980  }
0xd9: {  	[tilespmem:s11], [sflag:$0x1] =	stream.indirect_vreg.gather [hbm4b:s4+s3], $0x80, v4, vm0, $0xb8;
	[tilespmem:$0x18180] =	vst v63  }
0xda: {  	s11 =	simm.s32 $0x4180  }
0xdb: {  	[tilespmem:s11], [sflag:$0x1] =	stream.indirect_vreg.gather [hbm4b:s5+s3], $0x80, v4, vm0, $0xb8;
	[tilespmem:$0x18180] =	vst v63  }
0xdc: {  	s11 =	simm.s32 $0x4980  }
0xdd: {  	[tilespmem:s11], [sflag:$0x1] =	stream.indirect_vreg.gather [hbm4b:s2+s3], $0x80, v3, vm0, $0xb8;
	[tilespmem:$0x18180] =	vst v63  }
0xde: {  	s11 =	simm.s32 $0x5180  }
0xdf: {  	[tilespmem:s11], [sflag:$0x1] =	stream.indirect_vreg.gather [hbm4b:s4+s3], $0x80, v3, vm0, $0xb8;
	[tilespmem:$0x18180] =	vst v63  }
0xe0: {  	s11 =	simm.s32 $0x5980  }
0xe1: {  	[tilespmem:s11], [sflag:$0x1] =	stream.indirect_vreg.gather [hbm4b:s5+s3], $0x80, v3, vm0, $0xb8;
	[tilespmem:$0x18180] =	vst v63  }
0xe2: {  	v3 =	vld [tilespmem:$0xA0];
	_ =	sdelay $0x4  }
0xe3: {  	v54 =	vshrl.u32 v3, $0x3  }
0xe4: {  	v4 =	vmul.u32 $0x30, v54  }
0xe5: {  	v3 =	vand.u32 $0x7, v3  }
0xe6: {  	v3 =	vor.u32 v3, v4  }
0xe7: {  	v4 =	vperm.xlane v3, v0;
	_ =	sdelay $0x1  }
0xe8: {  	v4 =	vadd.s32 v1, v4;
	_ =	sdelay $0x3  }
0xe9: {  	s11 =	simm.s32 $0x6180;
	v3 =	vperm.xlane v3, v2  }
0xea: {  	[tilespmem:s11], [sflag:$0x1] =	stream.indirect_vreg.gather [hbm4b:s2+s3], $0x80, v4, vm0, $0xb8;
	[tilespmem:$0x18180] =	vst v63  }
0xeb: {  	v3 =	vadd.s32 v1, v3;
	s11 =	simm.s32 $0x6980  }
0xec: {  	[tilespmem:s11], [sflag:$0x1] =	stream.indirect_vreg.gather [hbm4b:s4+s3], $0x80, v4, vm0, $0xb8;
	[tilespmem:$0x18180] =	vst v63  }
0xed: {  	s11 =	simm.s32 $0x7180  }
0xee: {  	[tilespmem:s11], [sflag:$0x1] =	stream.indirect_vreg.gather [hbm4b:s5+s3], $0x80, v4, vm0, $0xb8;
	[tilespmem:$0x18180] =	vst v63  }
0xef: {  	s11 =	simm.s32 $0x7980  }
0xf0: {  	[tilespmem:s11], [sflag:$0x1] =	stream.indirect_vreg.gather [hbm4b:s2+s3], $0x80, v3, vm0, $0xb8;
	[tilespmem:$0x18180] =	vst v63  }
0xf1: {  	s11 =	simm.s32 $0x8180  }
0xf2: {  	[tilespmem:s11], [sflag:$0x1] =	stream.indirect_vreg.gather [hbm4b:s4+s3], $0x80, v3, vm0, $0xb8;
	[tilespmem:$0x18180] =	vst v63  }
0xf3: {  	s11 =	simm.s32 $0x8980  }
0xf4: {  	[tilespmem:s11], [sflag:$0x1] =	stream.indirect_vreg.gather [hbm4b:s5+s3], $0x80, v3, vm0, $0xb8;
	[tilespmem:$0x18180] =	vst v63  }
0xf5: {  	v3 =	vld [tilespmem:$0xB0];
	_ =	sdelay $0x4  }
0xf6: {  	v55 =	vshrl.u32 v3, $0x3  }
0xf7: {  	v4 =	vmul.u32 $0x30, v55  }
0xf8: {  	v3 =	vand.u32 $0x7, v3  }
0xf9: {  	v3 =	vor.u32 v3, v4  }
0xfa: {  	v4 =	vperm.xlane v3, v0;
	_ =	sdelay $0x1  }
0xfb: {  	v4 =	vadd.s32 v1, v4;
	_ =	sdelay $0x3  }
0xfc: {  	s11 =	simm.s32 $0x9180;
	v3 =	vperm.xlane v3, v2  }
0xfd: {  	[tilespmem:s11], [sflag:$0x1] =	stream.indirect_vreg.gather [hbm4b:s2+s3], $0x80, v4, vm0, $0xb8;
	[tilespmem:$0x18180] =	vst v63  }
0xfe: {  	v3 =	vadd.s32 v1, v3;
	s11 =	simm.s32 $0x9980  }
0xff: {  	[tilespmem:s11], [sflag:$0x1] =	stream.indirect_vreg.gather [hbm4b:s4+s3], $0x80, v4, vm0, $0xb8;
	[tilespmem:$0x18180] =	vst v63  }
0x100: {  	s11 =	simm.s32 $0xA180  }
0x101: {  	[tilespmem:s11], [sflag:$0x1] =	stream.indirect_vreg.gather [hbm4b:s5+s3], $0x80, v4, vm0, $0xb8;
	[tilespmem:$0x18180] =	vst v63  }
0x102: {  	s11 =	simm.s32 $0xA980  }
0x103: {  	[tilespmem:s11], [sflag:$0x1] =	stream.indirect_vreg.gather [hbm4b:s2+s3], $0x80, v3, vm0, $0xb8;
	[tilespmem:$0x18180] =	vst v63  }
0x104: {  	s11 =	simm.s32 $0xB180  }
0x105: {  	[tilespmem:s11], [sflag:$0x1] =	stream.indirect_vreg.gather [hbm4b:s4+s3], $0x80, v3, vm0, $0xb8;
	[tilespmem:$0x18180] =	vst v63  }
0x106: {  	s11 =	simm.s32 $0xB980  }
0x107: {  	[tilespmem:s11], [sflag:$0x1] =	stream.indirect_vreg.gather [hbm4b:s5+s3], $0x80, v3, vm0, $0xb8;
	[tilespmem:$0x18180] =	vst v63  }
0x108: {  	_ =	swait.ge [sflag:s0], $0xC000  }
0x109: {  	[sflag:s0] =	ssyncset.done $0x0  }
0x10a: {  	s9 =	rddreg [dreg:$0x6];
	[sflag:s0] =	ssyncadd.s32 $0xFFFF4000  }
0x10b: {  	[hbm4b:s9+s3] =	stream.linear.scatter [tilespmem:s10], [sflag:$0x2], $0xC000, $0x38;
	[tilespmem:$0x18180] =	vst v63  }
0x10c: {  	s9 =	simm.s32 $0x3  }
0x10d: {  	_ =	swait.ge [sflag:s9], $0xC000  }
0x10e: {  	[sflag:s9] =	ssyncset.done $0x0  }
0x10f: {  	[sflag:s9] =	ssyncadd.s32 $0xFFFF4000  }
0x110: {  	v3 =	vld [tilespmem:$0xC0];
	_ =	sdelay $0x4  }
0x111: {  	v56 =	vshrl.u32 v3, $0x3  }
0x112: {  	v4 =	vmul.u32 $0x30, v56  }
0x113: {  	v3 =	vand.u32 $0x7, v3  }
0x114: {  	v3 =	vor.u32 v3, v4  }
0x115: {  	v4 =	vperm.xlane v3, v0;
	_ =	sdelay $0x1  }
0x116: {  	v4 =	vadd.s32 v1, v4;
	_ =	sdelay $0x3  }
0x117: {  	v3 =	vperm.xlane v3, v2  }
0x118: {  	[tilespmem:s1], [sflag:$0x1] =	stream.indirect_vreg.gather [hbm4b:s2+s3], $0x80, v4, vm0, $0xb8;
	[tilespmem:$0x18180] =	vst v63  }
0x119: {  	s11 =	simm.s32 $0xC980;
	v3 =	vadd.s32 v1, v3  }
0x11a: {  	[tilespmem:s11], [sflag:$0x1] =	stream.indirect_vreg.gather [hbm4b:s4+s3], $0x80, v4, vm0, $0xb8;
	[tilespmem:$0x18180] =	vst v63  }
0x11b: {  	_ = 	snop  }
0x11c: {  	[tilespmem:s8], [sflag:$0x1] =	stream.indirect_vreg.gather [hbm4b:s5+s3], $0x80, v4, vm0, $0xb8;
	[tilespmem:$0x18180] =	vst v63  }
0x11d: {  	_ = 	snop  }
0x11e: {  	[tilespmem:s12], [sflag:$0x1] =	stream.indirect_vreg.gather [hbm4b:s2+s3], $0x80, v3, vm0, $0xb8;
	[tilespmem:$0x18180] =	vst v63  }
0x11f: {  	_ = 	snop  }
0x120: {  	[tilespmem:s13], [sflag:$0x1] =	stream.indirect_vreg.gather [hbm4b:s4+s3], $0x80, v3, vm0, $0xb8;
	[tilespmem:$0x18180] =	vst v63  }
0x121: {  	_ = 	snop  }
0x122: {  	[tilespmem:s14], [sflag:$0x1] =	stream.indirect_vreg.gather [hbm4b:s5+s3], $0x80, v3, vm0, $0xb8;
	[tilespmem:$0x18180] =	vst v63  }
0x123: {  	v3 =	vld [tilespmem:$0xD0];
	_ =	sdelay $0x4  }
0x124: {  	v57 =	vshrl.u32 v3, $0x3  }
0x125: {  	v4 =	vmul.u32 $0x30, v57  }
0x126: {  	v3 =	vand.u32 $0x7, v3  }
0x127: {  	v3 =	vor.u32 v3, v4  }
0x128: {  	v4 =	vperm.xlane v3, v0;
	_ =	sdelay $0x1  }
0x129: {  	v4 =	vadd.s32 v1, v4;
	_ =	sdelay $0x3  }
0x12a: {  	v3 =	vperm.xlane v3, v2  }
0x12b: {  	[tilespmem:s15], [sflag:$0x1] =	stream.indirect_vreg.gather [hbm4b:s2+s3], $0x80, v4, vm0, $0xb8;
	[tilespmem:$0x18180] =	vst v63  }
0x12c: {  	v3 =	vadd.s32 v1, v3  }
0x12d: {  	[tilespmem:s16], [sflag:$0x1] =	stream.indirect_vreg.gather [hbm4b:s4+s3], $0x80, v4, vm0, $0xb8;
	[tilespmem:$0x18180] =	vst v63  }
0x12e: {  	_ = 	snop  }
0x12f: {  	[tilespmem:s17], [sflag:$0x1] =	stream.indirect_vreg.gather [hbm4b:s5+s3], $0x80, v4, vm0, $0xb8;
	[tilespmem:$0x18180] =	vst v63  }
0x130: {  	_ = 	snop  }
0x131: {  	[tilespmem:s18], [sflag:$0x1] =	stream.indirect_vreg.gather [hbm4b:s2+s3], $0x80, v3, vm0, $0xb8;
	[tilespmem:$0x18180] =	vst v63  }
0x132: {  	_ = 	snop  }
0x133: {  	[tilespmem:s19], [sflag:$0x1] =	stream.indirect_vreg.gather [hbm4b:s4+s3], $0x80, v3, vm0, $0xb8;
	[tilespmem:$0x18180] =	vst v63  }
0x134: {  	_ = 	snop  }
0x135: {  	[tilespmem:s20], [sflag:$0x1] =	stream.indirect_vreg.gather [hbm4b:s5+s3], $0x80, v3, vm0, $0xb8;
	[tilespmem:$0x18180] =	vst v63  }
0x136: {  	v3 =	vld [tilespmem:$0xE0];
	_ =	sdelay $0x4  }
0x137: {  	v58 =	vshrl.u32 v3, $0x3  }
0x138: {  	v4 =	vmul.u32 $0x30, v58  }
0x139: {  	v3 =	vand.u32 $0x7, v3  }
0x13a: {  	v3 =	vor.u32 v3, v4  }
0x13b: {  	v4 =	vperm.xlane v3, v0;
	_ =	sdelay $0x1  }
0x13c: {  	v4 =	vadd.s32 v1, v4;
	_ =	sdelay $0x3  }
0x13d: {  	v3 =	vperm.xlane v3, v2  }
0x13e: {  	[tilespmem:s21], [sflag:$0x1] =	stream.indirect_vreg.gather [hbm4b:s2+s3], $0x80, v4, vm0, $0xb8;
	[tilespmem:$0x18180] =	vst v63  }
0x13f: {  	v3 =	vadd.s32 v1, v3  }
0x140: {  	[tilespmem:s22], [sflag:$0x1] =	stream.indirect_vreg.gather [hbm4b:s4+s3], $0x80, v4, vm0, $0xb8;
	[tilespmem:$0x18180] =	vst v63  }
0x141: {  	_ = 	snop  }
0x142: {  	[tilespmem:s23], [sflag:$0x1] =	stream.indirect_vreg.gather [hbm4b:s5+s3], $0x80, v4, vm0, $0xb8;
	[tilespmem:$0x18180] =	vst v63  }
0x143: {  	_ = 	snop  }
0x144: {  	[tilespmem:s24], [sflag:$0x1] =	stream.indirect_vreg.gather [hbm4b:s2+s3], $0x80, v3, vm0, $0xb8;
	[tilespmem:$0x18180] =	vst v63  }
0x145: {  	_ = 	snop  }
0x146: {  	[tilespmem:s25], [sflag:$0x1] =	stream.indirect_vreg.gather [hbm4b:s4+s3], $0x80, v3, vm0, $0xb8;
	[tilespmem:$0x18180] =	vst v63  }
0x147: {  	_ = 	snop  }
0x148: {  	[tilespmem:s26], [sflag:$0x1] =	stream.indirect_vreg.gather [hbm4b:s5+s3], $0x80, v3, vm0, $0xb8;
	[tilespmem:$0x18180] =	vst v63  }
0x149: {  	v3 =	vld [tilespmem:$0xF0];
	_ =	sdelay $0x4  }
0x14a: {  	v59 =	vshrl.u32 v3, $0x3  }
0x14b: {  	v4 =	vmul.u32 $0x30, v59  }
0x14c: {  	v3 =	vand.u32 $0x7, v3  }
0x14d: {  	v3 =	vor.u32 v3, v4  }
0x14e: {  	v4 =	vperm.xlane v3, v0;
	_ =	sdelay $0x1  }
0x14f: {  	v4 =	vadd.s32 v1, v4;
	_ =	sdelay $0x3  }
0x150: {  	v3 =	vperm.xlane v3, v2  }
0x151: {  	[tilespmem:s28], [sflag:$0x1] =	stream.indirect_vreg.gather [hbm4b:s2+s3], $0x80, v4, vm0, $0xb8;
	[tilespmem:$0x18180] =	vst v63  }
0x152: {  	v3 =	vadd.s32 v1, v3  }
0x153: {  	[tilespmem:s29], [sflag:$0x1] =	stream.indirect_vreg.gather [hbm4b:s4+s3], $0x80, v4, vm0, $0xb8;
	[tilespmem:$0x18180] =	vst v63  }
0x154: {  	_ = 	snop  }
0x155: {  	[tilespmem:s30], [sflag:$0x1] =	stream.indirect_vreg.gather [hbm4b:s5+s3], $0x80, v4, vm0, $0xb8;
	[tilespmem:$0x18180] =	vst v63  }
0x156: {  	_ = 	snop  }
0x157: {  	[tilespmem:s31], [sflag:$0x1] =	stream.indirect_vreg.gather [hbm4b:s2+s3], $0x80, v3, vm0, $0xb8;
	[tilespmem:$0x18180] =	vst v63  }
0x158: {  	s11 =	simm.s32 $0x17180  }
0x159: {  	[tilespmem:s11], [sflag:$0x1] =	stream.indirect_vreg.gather [hbm4b:s4+s3], $0x80, v3, vm0, $0xb8;
	[tilespmem:$0x18180] =	vst v63  }
0x15a: {  	s11 =	simm.s32 $0x17980  }
0x15b: {  	[tilespmem:s11], [sflag:$0x1] =	stream.indirect_vreg.gather [hbm4b:s5+s3], $0x80, v3, vm0, $0xb8;
	[tilespmem:$0x18180] =	vst v63  }
0x15c: {  	_ =	swait.ge [sflag:s0], $0xC000  }
0x15d: {  	[sflag:s0] =	ssyncset.done $0x0  }
0x15e: {  	s8 =	rddreg [dreg:$0x7];
	[sflag:s0] =	ssyncadd.s32 $0xFFFF4000  }
0x15f: {  	[hbm4b:s8+s3] =	stream.linear.scatter [tilespmem:s1], [sflag:$0x3], $0xC000, $0x38;
	[tilespmem:$0x18180] =	vst v63  }
0x160: {  	_ =	swait.ge [sflag:s7], $0xC000  }
0x161: {  	[sflag:s7] =	ssyncset.done $0x0  }
0x162: {  	[sflag:s7] =	ssyncadd.s32 $0xFFFF4000  }
0x163: {  	v3 =	vld [tilespmem:$0x100];
	_ =	sdelay $0x4  }
0x164: {  	v60 =	vshrl.u32 v3, $0x3  }
0x165: {  	v4 =	vmul.u32 $0x30, v60  }
0x166: {  	v3 =	vand.u32 $0x7, v3  }
0x167: {  	v3 =	vor.u32 v3, v4  }
0x168: {  	v4 =	vperm.xlane v3, v0;
	_ =	sdelay $0x1  }
0x169: {  	v4 =	vadd.s32 v1, v4;
	_ =	sdelay $0x3  }
0x16a: {  	v3 =	vperm.xlane v3, v2  }
0x16b: {  	[tilespmem:s10], [sflag:$0x1] =	stream.indirect_vreg.gather [hbm4b:s2+s3], $0x80, v4, vm0, $0xb8;
	[tilespmem:$0x18180] =	vst v63  }
0x16c: {  	s11 =	simm.s32 $0x980;
	v3 =	vadd.s32 v1, v3  }
0x16d: {  	[tilespmem:s11], [sflag:$0x1] =	stream.indirect_vreg.gather [hbm4b:s4+s3], $0x80, v4, vm0, $0xb8;
	[tilespmem:$0x18180] =	vst v63  }
0x16e: {  	s8 =	simm.s32 $0x1180  }
0x16f: {  	[tilespmem:s8], [sflag:$0x1] =	stream.indirect_vreg.gather [hbm4b:s5+s3], $0x80, v4, vm0, $0xb8;
	[tilespmem:$0x18180] =	vst v63  }
0x170: {  	s11 =	simm.s32 $0x1980  }
0x171: {  	[tilespmem:s11], [sflag:$0x1] =	stream.indirect_vreg.gather [hbm4b:s2+s3], $0x80, v3, vm0, $0xb8;
	[tilespmem:$0x18180] =	vst v63  }
0x172: {  	s8 =	simm.s32 $0x2180  }
0x173: {  	[tilespmem:s8], [sflag:$0x1] =	stream.indirect_vreg.gather [hbm4b:s4+s3], $0x80, v3, vm0, $0xb8;
	[tilespmem:$0x18180] =	vst v63  }
0x174: {  	s11 =	simm.s32 $0x2980  }
0x175: {  	[tilespmem:s11], [sflag:$0x1] =	stream.indirect_vreg.gather [hbm4b:s5+s3], $0x80, v3, vm0, $0xb8;
	[tilespmem:$0x18180] =	vst v63  }
0x176: {  	v3 =	vld [tilespmem:$0x110];
	_ =	sdelay $0x4  }
0x177: {  	v61 =	vshrl.u32 v3, $0x3  }
0x178: {  	v4 =	vmul.u32 $0x30, v61  }
0x179: {  	v3 =	vand.u32 $0x7, v3  }
0x17a: {  	v3 =	vor.u32 v3, v4  }
0x17b: {  	v4 =	vperm.xlane v3, v0;
	_ =	sdelay $0x1  }
0x17c: {  	v4 =	vadd.s32 v1, v4;
	_ =	sdelay $0x3  }
0x17d: {  	s8 =	simm.s32 $0x3180;
	v3 =	vperm.xlane v3, v2  }
0x17e: {  	[tilespmem:s8], [sflag:$0x1] =	stream.indirect_vreg.gather [hbm4b:s2+s3], $0x80, v4, vm0, $0xb8;
	[tilespmem:$0x18180] =	vst v63  }
0x17f: {  	s11 =	simm.s32 $0x3980;
	v3 =	vadd.s32 v1, v3  }
0x180: {  	[tilespmem:s11], [sflag:$0x1] =	stream.indirect_vreg.gather [hbm4b:s4+s3], $0x80, v4, vm0, $0xb8;
	[tilespmem:$0x18180] =	vst v63  }
0x181: {  	s8 =	simm.s32 $0x4180  }
0x182: {  	[tilespmem:s8], [sflag:$0x1] =	stream.indirect_vreg.gather [hbm4b:s5+s3], $0x80, v4, vm0, $0xb8;
	[tilespmem:$0x18180] =	vst v63  }
0x183: {  	s11 =	simm.s32 $0x4980  }
0x184: {  	[tilespmem:s11], [sflag:$0x1] =	stream.indirect_vreg.gather [hbm4b:s2+s3], $0x80, v3, vm0, $0xb8;
	[tilespmem:$0x18180] =	vst v63  }
0x185: {  	s8 =	simm.s32 $0x5180  }
0x186: {  	[tilespmem:s8], [sflag:$0x1] =	stream.indirect_vreg.gather [hbm4b:s4+s3], $0x80, v3, vm0, $0xb8;
	[tilespmem:$0x18180] =	vst v63  }
0x187: {  	s11 =	simm.s32 $0x5980  }
0x188: {  	[tilespmem:s11], [sflag:$0x1] =	stream.indirect_vreg.gather [hbm4b:s5+s3], $0x80, v3, vm0, $0xb8;
	[tilespmem:$0x18180] =	vst v63  }
0x189: {  	v3 =	vld [tilespmem:$0x120];
	_ =	sdelay $0x4  }
0x18a: {  	v62 =	vshrl.u32 v3, $0x3  }
0x18b: {  	v4 =	vmul.u32 $0x30, v62  }
0x18c: {  	v3 =	vand.u32 $0x7, v3  }
0x18d: {  	v3 =	vor.u32 v3, v4  }
0x18e: {  	v4 =	vperm.xlane v3, v0;
	_ =	sdelay $0x1  }
0x18f: {  	v4 =	vadd.s32 v1, v4;
	_ =	sdelay $0x3  }
0x190: {  	s8 =	simm.s32 $0x6180;
	v3 =	vperm.xlane v3, v2  }
0x191: {  	[tilespmem:s8], [sflag:$0x1] =	stream.indirect_vreg.gather [hbm4b:s2+s3], $0x80, v4, vm0, $0xb8;
	[tilespmem:$0x18180] =	vst v63  }
0x192: {  	s11 =	simm.s32 $0x6980;
	v3 =	vadd.s32 v1, v3  }
0x193: {  	[tilespmem:s11], [sflag:$0x1] =	stream.indirect_vreg.gather [hbm4b:s4+s3], $0x80, v4, vm0, $0xb8;
	[tilespmem:$0x18180] =	vst v63  }
0x194: {  	s8 =	simm.s32 $0x7180  }
0x195: {  	[tilespmem:s8], [sflag:$0x1] =	stream.indirect_vreg.gather [hbm4b:s5+s3], $0x80, v4, vm0, $0xb8;
	[tilespmem:$0x18180] =	vst v63  }
0x196: {  	s11 =	simm.s32 $0x7980  }
0x197: {  	[tilespmem:s11], [sflag:$0x1] =	stream.indirect_vreg.gather [hbm4b:s2+s3], $0x80, v3, vm0, $0xb8;
	[tilespmem:$0x18180] =	vst v63  }
0x198: {  	s8 =	simm.s32 $0x8180  }
0x199: {  	[tilespmem:s8], [sflag:$0x1] =	stream.indirect_vreg.gather [hbm4b:s4+s3], $0x80, v3, vm0, $0xb8;
	[tilespmem:$0x18180] =	vst v63  }
0x19a: {  	s11 =	simm.s32 $0x8980  }
0x19b: {  	[tilespmem:s11], [sflag:$0x1] =	stream.indirect_vreg.gather [hbm4b:s5+s3], $0x80, v3, vm0, $0xb8;
	[tilespmem:$0x18180] =	vst v63  }
0x19c: {  	v3 =	vld [tilespmem:$0x130];
	_ =	sdelay $0x4  }
0x19d: {  	v63 =	vshrl.u32 v3, $0x3  }
0x19e: {  	v4 =	vmul.u32 $0x30, v63  }
0x19f: {  	v3 =	vand.u32 $0x7, v3  }
0x1a0: {  	v3 =	vor.u32 v3, v4  }
0x1a1: {  	v4 =	vperm.xlane v3, v0;
	_ =	sdelay $0x1  }
0x1a2: {  	v4 =	vadd.s32 v1, v4;
	_ =	sdelay $0x3  }
0x1a3: {  	s8 =	simm.s32 $0x9180;
	v3 =	vperm.xlane v3, v2  }
0x1a4: {  	[tilespmem:s8], [sflag:$0x1] =	stream.indirect_vreg.gather [hbm4b:s2+s3], $0x80, v4, vm0, $0xb8;
	[tilespmem:$0x18180] =	vst v63  }
0x1a5: {  	s11 =	simm.s32 $0x9980;
	v3 =	vadd.s32 v1, v3  }
0x1a6: {  	[tilespmem:s11], [sflag:$0x1] =	stream.indirect_vreg.gather [hbm4b:s4+s3], $0x80, v4, vm0, $0xb8;
	[tilespmem:$0x18180] =	vst v63  }
0x1a7: {  	s8 =	simm.s32 $0xA180  }
0x1a8: {  	[tilespmem:s8], [sflag:$0x1] =	stream.indirect_vreg.gather [hbm4b:s5+s3], $0x80, v4, vm0, $0xb8;
	[tilespmem:$0x18180] =	vst v63  }
0x1a9: {  	s11 =	simm.s32 $0xA980  }
0x1aa: {  	[tilespmem:s11], [sflag:$0x1] =	stream.indirect_vreg.gather [hbm4b:s2+s3], $0x80, v3, vm0, $0xb8;
	[tilespmem:$0x18180] =	vst v63  }
0x1ab: {  	s8 =	simm.s32 $0xB180  }
0x1ac: {  	[tilespmem:s8], [sflag:$0x1] =	stream.indirect_vreg.gather [hbm4b:s4+s3], $0x80, v3, vm0, $0xb8;
	[tilespmem:$0x18180] =	vst v63  }
0x1ad: {  	s11 =	simm.s32 $0xB980  }
0x1ae: {  	[tilespmem:s11], [sflag:$0x1] =	stream.indirect_vreg.gather [hbm4b:s5+s3], $0x80, v3, vm0, $0xb8;
	[tilespmem:$0x18180] =	vst v63  }
0x1af: {  	_ =	swait.ge [sflag:s0], $0xC000  }
0x1b0: {  	[sflag:s0] =	ssyncset.done $0x0  }
0x1b1: {  	s8 =	rddreg [dreg:$0x8];
	[sflag:s0] =	ssyncadd.s32 $0xFFFF4000  }
0x1b2: {  	[hbm4b:s8+s3] =	stream.linear.scatter [tilespmem:s10], [sflag:$0x2], $0xC000, $0x38;
	[tilespmem:$0x18180] =	vst v63  }
0x1b3: {  	p0 =	sne.s32 s6, $0x1;
	_ =	swait.ge [sflag:s7], $0xC000  }
.Ltmp0:
0x1b4: {  	[sflag:s7] =	ssyncset.done $0x0;
	(pc) =	sbr.rel @p0 .LBB2_1-.Ltmp0, $4  }
0x1b5: {  	[sflag:s7] =	ssyncadd.s32 $0xFFFF4000  }
0x1b6: {  	_ =	swait.ge [sflag:s9], $0xC000  }
0x1b7: {  	[sflag:s9] =	ssyncset.done $0x0  }
0x1b8: {  	s6 =	sadd.s32 $0xFFFFFFFF, s6;
	[sflag:s9] =	ssyncadd.s32 $0xFFFF4000  }
0x1b9: {  	_ =	sfence.sel $0x180000  }
0x1ba: {  	[bflag:$0x0] =	sbarrier.arrive $0xFFFF  }
0x1bb: {  	_ =	strace $0x9000004A  }
0x1bc: {  	s0 =	stileid.u32;
	[bflag:$0x2] =	sbarrier.arrive $0xFFFF  }
0x1bd: {  	p0 =	sne.s32 s0, $0x0;
	s0 =	rddreg [dreg:$0x2]  }
0x1be: {  	s0 =	sadd.s32 @!p0 $0x100000, s0  }
0x1bf: {  	[sflag:s0] =	ssyncadd.tile.s32 @!p0 $0x1;
	_ =	shalt  }
.Lfunc_end2:
_tile_overlayer_lowered:
.L_overlay_start_2:
0x1c0: {  	(tag) =	ssettag $0x2  }
0x1c1: {  	s0 =	rddreg [dreg:$0x0];
	s2 =	stileid.u32  }
0x1c2: {  	s1 =	rddreg [dreg:$0x1];
	p0 =	sne.s32 s2, $0x0  }
0x1c3: {  	s3 =	rddreg [dreg:$0x2];
	[bflag:$0x3] =	sbarrier.arrive $0xFFFF;
	s2 =	simm.s32 @!p0 $0x1C04  }
0x1c4: {  	[timem:s3], [sflag:s2] =	dma.local @!p0 [hbm:s0], s1  }
0x1c5: {  	s0 =	simm.s32 @!p0 $0x4  }
0x1c6: {  	_ =	swait.ge @!p0 [sflag:s0], s1  }
0x1c7: {  	s1 =	ssub.s32 @!p0 $0x0, s1;
	[sflag:s0] =	ssyncset.done @!p0 $0x0  }
0x1c8: {  	[sflag:s0] =	ssyncadd.s32 @!p0 s1  }
0x1c9: {  	[bflag:$0x3] =	sbarrier.arrive $0xFFFF  }
0x1ca: {  	_ =	shalt  }

</sc_bundles>
